<compile_context>
chip_gen: v7x
topology: tpu7x:2x2x1
jax: 0.10.2.dev20260603
libtpu: 0.0.44.dev20260713+nightly
codegen_flags: <defaults>
</compile_context>

<pallas_src>
import functools

import jax
import jax.numpy as jnp
from jax import lax
from jax.experimental import pallas as pl
from jax.experimental.pallas import tpu as pltpu
from jax.experimental.pallas import tpu_sc as plsc

D = 128
HOUR_SIZE = 72
MINUTE_SIZE = 60
BSTRIPE = 128
LGRP = 2


def _csum_body(hour_ref, minute_ref, out_ref):
    h = hour_ref[...]
    m = minute_ref[...]
    out_ref[...] = (h[:, None, :] + m[None, :, :]).reshape(-1, D)


def _build_csum(hour_table, minute_table):
    return pl.pallas_call(
        _csum_body,
        out_shape=jax.ShapeDtypeStruct((HOUR_SIZE * MINUTE_SIZE, D), jnp.float32),
    )(hour_table, minute_table)


def _make_sc_gather(b, l):
    n_tokens = b * l
    nbt = b // BSTRIPE
    info = plsc.get_sparse_core_info()
    nc, ns = info.num_cores, info.num_subcores
    nw = nc * ns
    n_groups = (l // LGRP) * nbt
    per_w = n_groups // nw
    assert per_w * nw == n_groups and per_w % 2 == 0
    mesh = plsc.VectorSubcoreMesh(core_axis_name="c", subcore_axis_name="s")

    @functools.partial(
        pl.kernel,
        out_type=jax.ShapeDtypeStruct((n_tokens, D), jnp.float32),
        mesh=mesh,
        compiler_params=pltpu.CompilerParams(needs_layout_passes=False),
        scratch_types=[
            pltpu.VMEM((LGRP * 2 * BSTRIPE,), jnp.int32),
            pltpu.VMEM((LGRP * 2 * BSTRIPE,), jnp.int32),
            pltpu.VMEM((BSTRIPE,), jnp.int32),
            pltpu.VMEM((BSTRIPE,), jnp.int32),
            pltpu.VMEM((BSTRIPE,), jnp.int32),
            pltpu.VMEM((BSTRIPE,), jnp.int32),
            pltpu.VMEM((BSTRIPE,), jnp.int32),
            pltpu.VMEM((BSTRIPE,), jnp.int32),
            pltpu.VMEM((BSTRIPE,), jnp.int32),
            pltpu.VMEM((BSTRIPE,), jnp.int32),
            pltpu.VMEM((2, LGRP * BSTRIPE, D), jnp.float32),
            pltpu.VMEM_SHARED((HOUR_SIZE * MINUTE_SIZE, D), jnp.float32),
            pltpu.SemaphoreType.DMA((2,)),
            pltpu.SemaphoreType.DMA((2,)),
            pltpu.SemaphoreType.DMA((2,)),
        ],
    )
    def sc_kernel(x_hbm, csum_hbm, out_hbm, xbuf0, xbuf1,
                  idx00, idx01, idx10, idx11,
                  oidx00, oidx01, oidx10, oidx11,
                  staged, shared_csum, sem_x, sem_g, sem_o):
        wid = lax.axis_index("s") * nc + lax.axis_index("c")
        w_base = wid * per_w
        lanes = lax.iota(jnp.int32, 16)
        xbufs = (xbuf0, xbuf1)
        idxs = ((idx00, idx01), (idx10, idx11))
        oidxs = ((oidx00, oidx01), (oidx10, oidx11))

        def issue_x(g, slot):
            gg = w_base + g
            l2 = gg // nbt
            bt = gg % nbt
            for ls in range(LGRP):
                pltpu.async_copy(
                    x_hbm.at[pl.ds(((l2 * LGRP + ls) * nbt + bt) * 2 * BSTRIPE,
                                   2 * BSTRIPE)],
                    xbufs[slot].at[pl.ds(ls * 2 * BSTRIPE, 2 * BSTRIPE)],
                    sem_x.at[slot])

        def wait_x(slot):
            for _ in range(LGRP):
                pltpu.make_async_copy(
                    x_hbm.at[pl.ds(0, 2 * BSTRIPE)],
                    xbufs[slot].at[pl.ds(0, 2 * BSTRIPE)],
                    sem_x.at[slot]).wait()

        def wait_o(slot):
            for ls in range(LGRP):
                pltpu.make_async_copy(
                    staged.at[slot, pl.ds(ls * BSTRIPE, BSTRIPE)],
                    out_hbm.at[pl.ds(0, BSTRIPE)],
                    sem_o.at[slot]).wait()

        def chunk(g, slot):
            gg = w_base + g
            l2 = gg // nbt
            bt = gg % nbt
            l0 = l2 * LGRP
            xb = xbufs[slot]
            wait_x(slot)
            rowc = bt * (BSTRIPE * l) + l0
            for ls in range(LGRP):
                for k in range(BSTRIPE // 16):
                    hv = xb[pl.ds(ls * 2 * BSTRIPE + k * 16, 16)]
                    mv = xb[pl.ds(ls * 2 * BSTRIPE + BSTRIPE + k * 16, 16)]
                    idxs[slot][ls][pl.ds(k * 16, 16)] = hv * MINUTE_SIZE + mv
                    oidxs[slot][ls][pl.ds(k * 16, 16)] = (
                        (rowc + ls + l * k * 16) + l * lanes)
            issue_x(jnp.minimum(g + 2, per_w - 1), slot)

            @pl.when(g >= 2)
            def _():
                wait_o(slot)

            for ls in range(LGRP):
                pltpu.async_copy(
                    shared_csum.at[idxs[slot][ls]],
                    staged.at[slot, pl.ds(ls * BSTRIPE, BSTRIPE)],
                    sem_g.at[slot])
            for ls in range(LGRP):
                pltpu.make_async_copy(
                    shared_csum.at[idxs[slot][ls]],
                    staged.at[slot, pl.ds(ls * BSTRIPE, BSTRIPE)],
                    sem_g.at[slot]).wait()
            for ls in range(LGRP):
                pltpu.async_copy(
                    staged.at[slot, pl.ds(ls * BSTRIPE, BSTRIPE)],
                    out_hbm.at[oidxs[slot][ls]],
                    sem_o.at[slot])

        issue_x(0, 0)
        issue_x(1, 1)

        @pl.when(lax.axis_index("s") == 0)
        def _():
            pltpu.sync_copy(csum_hbm, shared_csum)

        plsc.subcore_barrier()

        def outer(oo, _):
            chunk(2 * oo, 0)
            chunk(2 * oo + 1, 1)
            return 0

        lax.fori_loop(0, per_w // 2, outer, 0)
        for slot in (0, 1):
            wait_o(slot)
            wait_x(slot)

    return sc_kernel


def kernel(x, minute_table, hour_table):
    b, l, _ = x.shape
    nbt = b // BSTRIPE
    xr = x.astype(jnp.int32)
    xt = (xr.transpose(1, 0, 2)
            .reshape(l, nbt, BSTRIPE, 2)
            .transpose(0, 1, 3, 2)
            .reshape(-1))
    csum = _build_csum(hour_table, minute_table)
    out = _make_sc_gather(b, l)(xt, csum)
    return out.reshape(b, l, D)

# --- scband reference (transcript-rebuilt; emitter-appended) ---
"""Pipeline reference for scband-circa-temporal-embedding-17334488006705 (READ-ONLY COPY).

The authoritative reference and input builder live on the scoring server;
editing this copy changes nothing except your own understanding.
"""

import jax, jax.numpy as jnp
import numpy as np

B, L, D = 16384, 200, 128
MINUTE_SIZE, HOUR_SIZE = 60, 72

def setup_inputs(seed: int = 0) -> dict:
    key = jax.random.key(seed)
    k1, k2, k3 = jax.random.split(key, 3)
    x = jax.random.randint(k1, (B, L, 2), 0, 60, dtype=jnp.int64) if jax.config.jax_enable_x64 else jax.random.randint(k1, (B, L, 2), 0, 60, dtype=jnp.int32)
    minute_table = jax.random.normal(k2, (MINUTE_SIZE, D), dtype=jnp.float32)
    hour_table = jax.random.normal(k3, (HOUR_SIZE, D), dtype=jnp.float32)
    return {"x": x, "minute_table": minute_table, "hour_table": hour_table}

def reference(x, minute_table, hour_table):
    x = x.astype(jnp.int32)
    minute_x = jnp.take(minute_table, x[:, :, 1], axis=0)
    hour_x = jnp.take(hour_table, x[:, :, 0], axis=0)
    return hour_x + minute_x

if __name__ == "__main__":
    import jax
    _d = setup_inputs()
    print(jax.jit(kernel)(*tuple(_d.values())))

</pallas_src>

<mosaic_0001>
#map = affine_map<(d0, d1) -> (0)>
#map1 = affine_map<(d0, d1) -> (0, 0)>
module attributes {stable_mosaic.version = 14 : i64} {
  func.func @sc_kernel(%arg0: i32, %arg1: i32, %arg2: memref<6553600xi32, #tpu.memory_space<hbm>>, %arg3: memref<4320x128xf32, #tpu.memory_space<hbm>>, %arg4: memref<3276800x128xf32, #tpu.memory_space<hbm>>, %arg5: memref<512xi32, #tpu.memory_space<vmem>>, %arg6: memref<512xi32, #tpu.memory_space<vmem>>, %arg7: memref<128xi32, #tpu.memory_space<vmem>>, %arg8: memref<128xi32, #tpu.memory_space<vmem>>, %arg9: memref<128xi32, #tpu.memory_space<vmem>>, %arg10: memref<128xi32, #tpu.memory_space<vmem>>, %arg11: memref<128xi32, #tpu.memory_space<vmem>>, %arg12: memref<128xi32, #tpu.memory_space<vmem>>, %arg13: memref<128xi32, #tpu.memory_space<vmem>>, %arg14: memref<128xi32, #tpu.memory_space<vmem>>, %arg15: memref<2x256x128xf32, #tpu.memory_space<vmem>>, %arg16: memref<4320x128xf32, #tpu.memory_space<vmem_shared>>, %arg17: memref<2x!tpu.dma_semaphore, #tpu.memory_space<semaphore_mem>>, %arg18: memref<2x!tpu.dma_semaphore, #tpu.memory_space<semaphore_mem>>, %arg19: memref<2x!tpu.dma_semaphore, #tpu.memory_space<semaphore_mem>>) attributes {dimension_semantics = [#tpu.dimension_semantics<core_parallel>, #tpu.dimension_semantics<subcore_parallel>], iteration_bounds = array<i64: 2, 16>, scalar_prefetch = 0 : i64, scratch_operands = 15 : i64, tpu.core_type = #tpu.core_type<sc_vector_subcore>, window_params = [{transform_indices = #map}, {transform_indices = #map1}, {transform_indices = #map1}]} {
    %mul3A = arith.constant 2 : i32
    %mul3A_0 = arith.muli %arg1, %mul3A : i32
    %add3A = arith.addi %mul3A_0, %arg0 : i32
    %mul3A_1 = arith.constant 400 : i32
    %mul3A_2 = arith.muli %add3A, %mul3A_1 : i32
    %iota3A = tpu.iota {dimensions = array<i32: 0>} : vector<16xi32>
    %add3A_3 = arith.constant 0 : i32
    %add3A_4 = arith.addi %mul3A_2, %add3A_3 : i32
    %jit3A = arith.constant 128 : i32
    %div3A = arith.divsi %add3A_4, %jit3A : i32
    %sign3A = arith.constant 0 : i32
    %sign3A_5 = arith.cmpi sgt, %add3A_4, %sign3A : i32
    %sign3A_6 = arith.extui %sign3A_5 : i1 to i32
    %sign3A_7 = arith.constant 0 : i32
    %sign3A_8 = arith.cmpi slt, %add3A_4, %sign3A_7 : i32
    %sign3A_9 = arith.extui %sign3A_8 : i1 to i32
    %sign3A_10 = arith.subi %sign3A_6, %sign3A_9 : i32
    %sign3A_11 = arith.constant 0 : i32
    %sign3A_12 = arith.cmpi sgt, %jit3A, %sign3A_11 : i32
    %sign3A_13 = arith.extui %sign3A_12 : i1 to i32
    %sign3A_14 = arith.constant 0 : i32
    %sign3A_15 = arith.cmpi slt, %jit3A, %sign3A_14 : i32
    %sign3A_16 = arith.extui %sign3A_15 : i1 to i32
    %sign3A_17 = arith.subi %sign3A_13, %sign3A_16 : i32
    %ne3A = arith.cmpi ne, %sign3A_10, %sign3A_17 : i32
    %rem3A = arith.remsi %add3A_4, %jit3A : i32
    %ne3A_18 = arith.constant 0 : i32
    %ne3A_19 = arith.cmpi ne, %rem3A, %ne3A_18 : i32
    %and3A = arith.andi %ne3A, %ne3A_19 : i1
    %sub3A = arith.constant 1 : i32
    %sub3A_20 = arith.subi %div3A, %sub3A : i32
    %select_n3A = arith.select %and3A, %sub3A_20, %div3A : i32
    %jit3A_21 = arith.constant 128 : i32
    %eq3A = arith.constant 0 : i32
    %eq3A_22 = arith.cmpi eq, %jit3A_21, %eq3A : i32
    %jit3A_23 = arith.constant 1 : i32
    %select_n3A_24 = arith.select %eq3A_22, %jit3A_23, %jit3A_21 : i32
    %rem3A_25 = arith.remsi %add3A_4, %select_n3A_24 : i32
    %ne3A_26 = arith.constant 0 : i32
    %ne3A_27 = arith.cmpi ne, %rem3A_25, %ne3A_26 : i32
    %lt3A = arith.constant 0 : i32
    %lt3A_28 = arith.cmpi slt, %rem3A_25, %lt3A : i32
    %lt3A_29 = arith.constant 0 : i32
    %lt3A_30 = arith.cmpi slt, %select_n3A_24, %lt3A_29 : i32
    %ne3A_31 = arith.xori %lt3A_28, %lt3A_30 : i1
    %and3A_32 = arith.andi %ne3A_31, %ne3A_27 : i1
    %add3A_33 = arith.addi %rem3A_25, %select_n3A_24 : i32
    %select_n3A_34 = arith.select %and3A_32, %add3A_33, %rem3A_25 : i32
    %mul3A_35 = arith.constant 2 : i32
    %mul3A_36 = arith.muli %select_n3A, %mul3A_35 : i32
    %add3A_37 = arith.constant 0 : i32
    %add3A_38 = arith.addi %mul3A_36, %add3A_37 : i32
    %mul3A_39 = arith.constant 128 : i32
    %mul3A_40 = arith.muli %add3A_38, %mul3A_39 : i32
    %add3A_41 = arith.addi %mul3A_40, %select_n3A_34 : i32
    %mul3A_42 = arith.constant 2 : i32
    %mul3A_43 = arith.muli %add3A_41, %mul3A_42 : i32
    %mul3A_44 = arith.constant 128 : i32
    %mul3A_45 = arith.muli %mul3A_43, %mul3A_44 : i32
    %dma_start3A = arith.constant 0 : i32
    %dma_start3A_46 = arith.constant 0 : i32
    %dma_start3A_47 = tpu.memref_slice %arg5[%dma_start3A_46] : memref<512xi32, #tpu.memory_space<vmem>> -> memref<256xi32, #tpu.memory_space<vmem>>
    %dma_start3A_48 = tpu.memref_slice %arg2[%mul3A_45] : memref<6553600xi32, #tpu.memory_space<hbm>> -> memref<256xi32, #tpu.memory_space<hbm>>
    %dma_start3A_49 = tpu.memref_slice %arg17[%dma_start3A] : memref<2x!tpu.dma_semaphore, #tpu.memory_space<semaphore_mem>> -> memref<1x!tpu.dma_semaphore, #tpu.memory_space<semaphore_mem>>
    %dma_start3A_50 = tpu.memref_squeeze %dma_start3A_49 : memref<1x!tpu.dma_semaphore, #tpu.memory_space<semaphore_mem>> -> memref<!tpu.dma_semaphore, #tpu.memory_space<semaphore_mem>>
    %dma_start3A_51 = arith.constant 0 : i32
    %dma_start3A_52 = tpu.memref_slice %arg5[%dma_start3A_51] : memref<512xi32, #tpu.memory_space<vmem>> -> memref<256xi32, #tpu.memory_space<vmem>>
    %dma_start3A_53 = tpu.memref_slice %arg2[%mul3A_45] : memref<6553600xi32, #tpu.memory_space<hbm>> -> memref<256xi32, #tpu.memory_space<hbm>>
    tpu.enqueue_dma source(%dma_start3A_53 : memref<256xi32, #tpu.memory_space<hbm>>) target(%dma_start3A_52 : memref<256xi32, #tpu.memory_space<vmem>>) target_semaphore(%dma_start3A_50 : memref<!tpu.dma_semaphore, #tpu.memory_space<semaphore_mem>>)
    %mul3A_54 = arith.constant 2 : i32
    %mul3A_55 = arith.muli %select_n3A, %mul3A_54 : i32
    %add3A_56 = arith.constant 1 : i32
    %add3A_57 = arith.addi %mul3A_55, %add3A_56 : i32
    %mul3A_58 = arith.constant 128 : i32
    %mul3A_59 = arith.muli %add3A_57, %mul3A_58 : i32
    %add3A_60 = arith.addi %mul3A_59, %select_n3A_34 : i32
    %mul3A_61 = arith.constant 2 : i32
    %mul3A_62 = arith.muli %add3A_60, %mul3A_61 : i32
    %mul3A_63 = arith.constant 128 : i32
    %mul3A_64 = arith.muli %mul3A_62, %mul3A_63 : i32
    %dma_start3A_65 = arith.constant 0 : i32
    %dma_start3A_66 = arith.constant 256 : i32
    %dma_start3A_67 = tpu.memref_slice %arg5[%dma_start3A_66] : memref<512xi32, #tpu.memory_space<vmem>> -> memref<256xi32, #tpu.memory_space<vmem>>
    %dma_start3A_68 = tpu.memref_slice %arg2[%mul3A_64] : memref<6553600xi32, #tpu.memory_space<hbm>> -> memref<256xi32, #tpu.memory_space<hbm>>
    %dma_start3A_69 = tpu.memref_slice %arg17[%dma_start3A_65] : memref<2x!tpu.dma_semaphore, #tpu.memory_space<semaphore_mem>> -> memref<1x!tpu.dma_semaphore, #tpu.memory_space<semaphore_mem>>
    %dma_start3A_70 = tpu.memref_squeeze %dma_start3A_69 : memref<1x!tpu.dma_semaphore, #tpu.memory_space<semaphore_mem>> -> memref<!tpu.dma_semaphore, #tpu.memory_space<semaphore_mem>>
    %dma_start3A_71 = arith.constant 256 : i32
    %dma_start3A_72 = tpu.memref_slice %arg5[%dma_start3A_71] : memref<512xi32, #tpu.memory_space<vmem>> -> memref<256xi32, #tpu.memory_space<vmem>>
    %dma_start3A_73 = tpu.memref_slice %arg2[%mul3A_64] : memref<6553600xi32, #tpu.memory_space<hbm>> -> memref<256xi32, #tpu.memory_space<hbm>>
    tpu.enqueue_dma source(%dma_start3A_73 : memref<256xi32, #tpu.memory_space<hbm>>) target(%dma_start3A_72 : memref<256xi32, #tpu.memory_space<vmem>>) target_semaphore(%dma_start3A_70 : memref<!tpu.dma_semaphore, #tpu.memory_space<semaphore_mem>>)
    %add3A_74 = arith.constant 1 : i32
    %add3A_75 = arith.addi %mul3A_2, %add3A_74 : i32
    %jit3A_76 = arith.constant 128 : i32
    %div3A_77 = arith.divsi %add3A_75, %jit3A_76 : i32
    %sign3A_78 = arith.constant 0 : i32
    %sign3A_79 = arith.cmpi sgt, %add3A_75, %sign3A_78 : i32
    %sign3A_80 = arith.extui %sign3A_79 : i1 to i32
    %sign3A_81 = arith.constant 0 : i32
    %sign3A_82 = arith.cmpi slt, %add3A_75, %sign3A_81 : i32
    %sign3A_83 = arith.extui %sign3A_82 : i1 to i32
    %sign3A_84 = arith.subi %sign3A_80, %sign3A_83 : i32
    %sign3A_85 = arith.constant 0 : i32
    %sign3A_86 = arith.cmpi sgt, %jit3A_76, %sign3A_85 : i32
    %sign3A_87 = arith.extui %sign3A_86 : i1 to i32
    %sign3A_88 = arith.constant 0 : i32
    %sign3A_89 = arith.cmpi slt, %jit3A_76, %sign3A_88 : i32
    %sign3A_90 = arith.extui %sign3A_89 : i1 to i32
    %sign3A_91 = arith.subi %sign3A_87, %sign3A_90 : i32
    %ne3A_92 = arith.cmpi ne, %sign3A_84, %sign3A_91 : i32
    %rem3A_93 = arith.remsi %add3A_75, %jit3A_76 : i32
    %ne3A_94 = arith.constant 0 : i32
    %ne3A_95 = arith.cmpi ne, %rem3A_93, %ne3A_94 : i32
    %and3A_96 = arith.andi %ne3A_92, %ne3A_95 : i1
    %sub3A_97 = arith.constant 1 : i32
    %sub3A_98 = arith.subi %div3A_77, %sub3A_97 : i32
    %select_n3A_99 = arith.select %and3A_96, %sub3A_98, %div3A_77 : i32
    %jit3A_100 = arith.constant 128 : i32
    %eq3A_101 = arith.constant 0 : i32
    %eq3A_102 = arith.cmpi eq, %jit3A_100, %eq3A_101 : i32
    %jit3A_103 = arith.constant 1 : i32
    %select_n3A_104 = arith.select %eq3A_102, %jit3A_103, %jit3A_100 : i32
    %rem3A_105 = arith.remsi %add3A_75, %select_n3A_104 : i32
    %ne3A_106 = arith.constant 0 : i32
    %ne3A_107 = arith.cmpi ne, %rem3A_105, %ne3A_106 : i32
    %lt3A_108 = arith.constant 0 : i32
    %lt3A_109 = arith.cmpi slt, %rem3A_105, %lt3A_108 : i32
    %lt3A_110 = arith.constant 0 : i32
    %lt3A_111 = arith.cmpi slt, %select_n3A_104, %lt3A_110 : i32
    %ne3A_112 = arith.xori %lt3A_109, %lt3A_111 : i1
    %and3A_113 = arith.andi %ne3A_112, %ne3A_107 : i1
    %add3A_114 = arith.addi %rem3A_105, %select_n3A_104 : i32
    %select_n3A_115 = arith.select %and3A_113, %add3A_114, %rem3A_105 : i32
    %mul3A_116 = arith.constant 2 : i32
    %mul3A_117 = arith.muli %select_n3A_99, %mul3A_116 : i32
    %add3A_118 = arith.constant 0 : i32
    %add3A_119 = arith.addi %mul3A_117, %add3A_118 : i32
    %mul3A_120 = arith.constant 128 : i32
    %mul3A_121 = arith.muli %add3A_119, %mul3A_120 : i32
    %add3A_122 = arith.addi %mul3A_121, %select_n3A_115 : i32
    %mul3A_123 = arith.constant 2 : i32
    %mul3A_124 = arith.muli %add3A_122, %mul3A_123 : i32
    %mul3A_125 = arith.constant 128 : i32
    %mul3A_126 = arith.muli %mul3A_124, %mul3A_125 : i32
    %dma_start3A_127 = arith.constant 1 : i32
    %dma_start3A_128 = arith.constant 0 : i32
    %dma_start3A_129 = tpu.memref_slice %arg6[%dma_start3A_128] : memref<512xi32, #tpu.memory_space<vmem>> -> memref<256xi32, #tpu.memory_space<vmem>>
    %dma_start3A_130 = tpu.memref_slice %arg2[%mul3A_126] : memref<6553600xi32, #tpu.memory_space<hbm>> -> memref<256xi32, #tpu.memory_space<hbm>>
    %dma_start3A_131 = tpu.memref_slice %arg17[%dma_start3A_127] : memref<2x!tpu.dma_semaphore, #tpu.memory_space<semaphore_mem>> -> memref<1x!tpu.dma_semaphore, #tpu.memory_space<semaphore_mem>>
    %dma_start3A_132 = tpu.memref_squeeze %dma_start3A_131 : memref<1x!tpu.dma_semaphore, #tpu.memory_space<semaphore_mem>> -> memref<!tpu.dma_semaphore, #tpu.memory_space<semaphore_mem>>
    %dma_start3A_133 = arith.constant 0 : i32
    %dma_start3A_134 = tpu.memref_slice %arg6[%dma_start3A_133] : memref<512xi32, #tpu.memory_space<vmem>> -> memref<256xi32, #tpu.memory_space<vmem>>
    %dma_start3A_135 = tpu.memref_slice %arg2[%mul3A_126] : memref<6553600xi32, #tpu.memory_space<hbm>> -> memref<256xi32, #tpu.memory_space<hbm>>
    tpu.enqueue_dma source(%dma_start3A_135 : memref<256xi32, #tpu.memory_space<hbm>>) target(%dma_start3A_134 : memref<256xi32, #tpu.memory_space<vmem>>) target_semaphore(%dma_start3A_132 : memref<!tpu.dma_semaphore, #tpu.memory_space<semaphore_mem>>)
    %mul3A_136 = arith.constant 2 : i32
    %mul3A_137 = arith.muli %select_n3A_99, %mul3A_136 : i32
    %add3A_138 = arith.constant 1 : i32
    %add3A_139 = arith.addi %mul3A_137, %add3A_138 : i32
    %mul3A_140 = arith.constant 128 : i32
    %mul3A_141 = arith.muli %add3A_139, %mul3A_140 : i32
    %add3A_142 = arith.addi %mul3A_141, %select_n3A_115 : i32
    %mul3A_143 = arith.constant 2 : i32
    %mul3A_144 = arith.muli %add3A_142, %mul3A_143 : i32
    %mul3A_145 = arith.constant 128 : i32
    %mul3A_146 = arith.muli %mul3A_144, %mul3A_145 : i32
    %dma_start3A_147 = arith.constant 1 : i32
    %dma_start3A_148 = arith.constant 256 : i32
    %dma_start3A_149 = tpu.memref_slice %arg6[%dma_start3A_148] : memref<512xi32, #tpu.memory_space<vmem>> -> memref<256xi32, #tpu.memory_space<vmem>>
    %dma_start3A_150 = tpu.memref_slice %arg2[%mul3A_146] : memref<6553600xi32, #tpu.memory_space<hbm>> -> memref<256xi32, #tpu.memory_space<hbm>>
    %dma_start3A_151 = tpu.memref_slice %arg17[%dma_start3A_147] : memref<2x!tpu.dma_semaphore, #tpu.memory_space<semaphore_mem>> -> memref<1x!tpu.dma_semaphore, #tpu.memory_space<semaphore_mem>>
    %dma_start3A_152 = tpu.memref_squeeze %dma_start3A_151 : memref<1x!tpu.dma_semaphore, #tpu.memory_space<semaphore_mem>> -> memref<!tpu.dma_semaphore, #tpu.memory_space<semaphore_mem>>
    %dma_start3A_153 = arith.constant 256 : i32
    %dma_start3A_154 = tpu.memref_slice %arg6[%dma_start3A_153] : memref<512xi32, #tpu.memory_space<vmem>> -> memref<256xi32, #tpu.memory_space<vmem>>
    %dma_start3A_155 = tpu.memref_slice %arg2[%mul3A_146] : memref<6553600xi32, #tpu.memory_space<hbm>> -> memref<256xi32, #tpu.memory_space<hbm>>
    tpu.enqueue_dma source(%dma_start3A_155 : memref<256xi32, #tpu.memory_space<hbm>>) target(%dma_start3A_154 : memref<256xi32, #tpu.memory_space<vmem>>) target_semaphore(%dma_start3A_152 : memref<!tpu.dma_semaphore, #tpu.memory_space<semaphore_mem>>)
    %eq3A_156 = arith.constant 0 : i32
    %eq3A_157 = arith.cmpi eq, %arg1, %eq3A_156 : i32
    %convert_element_type3A = arith.extui %eq3A_157 : i1 to i32
    %cond3A = arith.constant 0 : i32
    %cond3A_158 = arith.cmpi ne, %convert_element_type3A, %cond3A : i32
    scf.if %cond3A_158 {
      "tpu.region"() ({
        %run_scoped3A = tpu.sem_alloc : memref<!tpu.dma_semaphore, #tpu.memory_space<semaphore_mem>>
        tpu.enqueue_dma source(%arg3 : memref<4320x128xf32, #tpu.memory_space<hbm>>) target(%arg16 : memref<4320x128xf32, #tpu.memory_space<vmem_shared>>) target_semaphore(%run_scoped3A : memref<!tpu.dma_semaphore, #tpu.memory_space<semaphore_mem>>)
        tpu.wait_dma2 semaphore(%run_scoped3A : memref<!tpu.dma_semaphore, #tpu.memory_space<semaphore_mem>>) src(%arg3 : memref<4320x128xf32, #tpu.memory_space<hbm>>) dst(%arg16 : memref<4320x128xf32, #tpu.memory_space<vmem_shared>>)
        tpu.yield
      }) : () -> ()
    } else {
    }
    %barrier3A = arith.constant 0 : index
    tpu.barrier barrier_id(%barrier3A)
    %scan3A = arith.constant 0 : i32
    %scan3A_159 = arith.constant 0 : i32
    %scan3A_160 = arith.constant 200 : i32
    %scan3A_161 = arith.addi %scan3A_159, %scan3A_160 : i32
    %scan3A_162 = arith.constant 1 : i32
    %scan3A_163 = scf.for %scan3A_280 = %scan3A_159 to %scan3A_161 step %scan3A_162 iter_args(%scan3A_281 = %scan3A) -> (i32)  : i32 {
      %mul3A_282 = arith.constant 2 : i32
      %mul3A_283 = arith.muli %mul3A_282, %scan3A_280 : i32
      %add3A_284 = arith.addi %mul3A_2, %mul3A_283 : i32
      %jit3A_285 = arith.constant 128 : i32
      %div3A_286 = arith.divsi %add3A_284, %jit3A_285 : i32
      %sign3A_287 = arith.constant 0 : i32
      %sign3A_288 = arith.cmpi sgt, %add3A_284, %sign3A_287 : i32
      %sign3A_289 = arith.extui %sign3A_288 : i1 to i32
      %sign3A_290 = arith.constant 0 : i32
      %sign3A_291 = arith.cmpi slt, %add3A_284, %sign3A_290 : i32
      %sign3A_292 = arith.extui %sign3A_291 : i1 to i32
      %sign3A_293 = arith.subi %sign3A_289, %sign3A_292 : i32
      %sign3A_294 = arith.constant 0 : i32
      %sign3A_295 = arith.cmpi sgt, %jit3A_285, %sign3A_294 : i32
      %sign3A_296 = arith.extui %sign3A_295 : i1 to i32
      %sign3A_297 = arith.constant 0 : i32
      %sign3A_298 = arith.cmpi slt, %jit3A_285, %sign3A_297 : i32
      %sign3A_299 = arith.extui %sign3A_298 : i1 to i32
      %sign3A_300 = arith.subi %sign3A_296, %sign3A_299 : i32
      %ne3A_301 = arith.cmpi ne, %sign3A_293, %sign3A_300 : i32
      %rem3A_302 = arith.remsi %add3A_284, %jit3A_285 : i32
      %ne3A_303 = arith.constant 0 : i32
      %ne3A_304 = arith.cmpi ne, %rem3A_302, %ne3A_303 : i32
      %and3A_305 = arith.andi %ne3A_301, %ne3A_304 : i1
      %sub3A_306 = arith.constant 1 : i32
      %sub3A_307 = arith.subi %div3A_286, %sub3A_306 : i32
      %select_n3A_308 = arith.select %and3A_305, %sub3A_307, %div3A_286 : i32
      %jit3A_309 = arith.constant 128 : i32
      %eq3A_310 = arith.constant 0 : i32
      %eq3A_311 = arith.cmpi eq, %jit3A_309, %eq3A_310 : i32
      %jit3A_312 = arith.constant 1 : i32
      %select_n3A_313 = arith.select %eq3A_311, %jit3A_312, %jit3A_309 : i32
      %rem3A_314 = arith.remsi %add3A_284, %select_n3A_313 : i32
      %ne3A_315 = arith.constant 0 : i32
      %ne3A_316 = arith.cmpi ne, %rem3A_314, %ne3A_315 : i32
      %lt3A_317 = arith.constant 0 : i32
      %lt3A_318 = arith.cmpi slt, %rem3A_314, %lt3A_317 : i32
      %lt3A_319 = arith.constant 0 : i32
      %lt3A_320 = arith.cmpi slt, %select_n3A_313, %lt3A_319 : i32
      %ne3A_321 = arith.xori %lt3A_318, %lt3A_320 : i1
      %and3A_322 = arith.andi %ne3A_321, %ne3A_316 : i1
      %add3A_323 = arith.addi %rem3A_314, %select_n3A_313 : i32
      %select_n3A_324 = arith.select %and3A_322, %add3A_323, %rem3A_314 : i32
      %mul3A_325 = arith.constant 2 : i32
      %mul3A_326 = arith.muli %select_n3A_308, %mul3A_325 : i32
      %dma_wait3A_327 = arith.constant 0 : i32
      %dma_wait3A_328 = arith.constant 0 : i32
      %dma_wait3A_329 = tpu.memref_slice %arg5[%dma_wait3A_328] : memref<512xi32, #tpu.memory_space<vmem>> -> memref<256xi32, #tpu.memory_space<vmem>>
      %dma_wait3A_330 = arith.constant 0 : i32
      %dma_wait3A_331 = tpu.memref_slice %arg2[%dma_wait3A_330] : memref<6553600xi32, #tpu.memory_space<hbm>> -> memref<256xi32, #tpu.memory_space<hbm>>
      %dma_wait3A_332 = tpu.memref_slice %arg17[%dma_wait3A_327] : memref<2x!tpu.dma_semaphore, #tpu.memory_space<semaphore_mem>> -> memref<1x!tpu.dma_semaphore, #tpu.memory_space<semaphore_mem>>
      %dma_wait3A_333 = tpu.memref_squeeze %dma_wait3A_332 : memref<1x!tpu.dma_semaphore, #tpu.memory_space<semaphore_mem>> -> memref<!tpu.dma_semaphore, #tpu.memory_space<semaphore_mem>>
      %dma_wait3A_334 = arith.constant 0 : i32
      %dma_wait3A_335 = tpu.memref_slice %arg5[%dma_wait3A_334] : memref<512xi32, #tpu.memory_space<vmem>> -> memref<256xi32, #tpu.memory_space<vmem>>
      %dma_wait3A_336 = arith.constant 0 : i32
      %dma_wait3A_337 = tpu.memref_slice %arg2[%dma_wait3A_336] : memref<6553600xi32, #tpu.memory_space<hbm>> -> memref<256xi32, #tpu.memory_space<hbm>>
      tpu.wait_dma2 semaphore(%dma_wait3A_333 : memref<!tpu.dma_semaphore, #tpu.memory_space<semaphore_mem>>) src(%dma_wait3A_337 : memref<256xi32, #tpu.memory_space<hbm>>) dst(%dma_wait3A_335 : memref<256xi32, #tpu.memory_space<vmem>>)
      %dma_wait3A_338 = arith.constant 0 : i32
      %dma_wait3A_339 = arith.constant 0 : i32
      %dma_wait3A_340 = tpu.memref_slice %arg5[%dma_wait3A_339] : memref<512xi32, #tpu.memory_space<vmem>> -> memref<256xi32, #tpu.memory_space<vmem>>
      %dma_wait3A_341 = arith.constant 0 : i32
      %dma_wait3A_342 = tpu.memref_slice %arg2[%dma_wait3A_341] : memref<6553600xi32, #tpu.memory_space<hbm>> -> memref<256xi32, #tpu.memory_space<hbm>>
      %dma_wait3A_343 = tpu.memref_slice %arg17[%dma_wait3A_338] : memref<2x!tpu.dma_semaphore, #tpu.memory_space<semaphore_mem>> -> memref<1x!tpu.dma_semaphore, #tpu.memory_space<semaphore_mem>>
      %dma_wait3A_344 = tpu.memref_squeeze %dma_wait3A_343 : memref<1x!tpu.dma_semaphore, #tpu.memory_space<semaphore_mem>> -> memref<!tpu.dma_semaphore, #tpu.memory_space<semaphore_mem>>
      %dma_wait3A_345 = arith.constant 0 : i32
      %dma_wait3A_346 = tpu.memref_slice %arg5[%dma_wait3A_345] : memref<512xi32, #tpu.memory_space<vmem>> -> memref<256xi32, #tpu.memory_space<vmem>>
      %dma_wait3A_347 = arith.constant 0 : i32
      %dma_wait3A_348 = tpu.memref_slice %arg2[%dma_wait3A_347] : memref<6553600xi32, #tpu.memory_space<hbm>> -> memref<256xi32, #tpu.memory_space<hbm>>
      tpu.wait_dma2 semaphore(%dma_wait3A_344 : memref<!tpu.dma_semaphore, #tpu.memory_space<semaphore_mem>>) src(%dma_wait3A_348 : memref<256xi32, #tpu.memory_space<hbm>>) dst(%dma_wait3A_346 : memref<256xi32, #tpu.memory_space<vmem>>)
      %mul3A_349 = arith.constant 25600 : i32
      %mul3A_350 = arith.muli %select_n3A_324, %mul3A_349 : i32
      %add3A_351 = arith.addi %mul3A_350, %mul3A_326 : i32
      %get3A = arith.constant 0 : index
      %get3A_352 = tpu.vector_load %arg5[%get3A] {strides = array<i32>} : memref<512xi32, #tpu.memory_space<vmem>>, vector<16xi32>,
      %get3A_353 = arith.constant 128 : index
      %get3A_354 = tpu.vector_load %arg5[%get3A_353] {strides = array<i32>} : memref<512xi32, #tpu.memory_space<vmem>>, vector<16xi32>,
      %mul3A_355 = arith.constant 60 : i32
      %mul3A_356 = vector.broadcast %mul3A_355 : i32 to vector<16xi32>
      %mul3A_357 = arith.muli %get3A_352, %mul3A_356 : vector<16xi32>
      %add3A_358 = arith.addi %mul3A_357, %get3A_354 : vector<16xi32>
      %swap3A = arith.constant 0 : index
      %swap3A_359 = tpu.vector_load %arg7[%swap3A] {strides = array<i32>} : memref<128xi32, #tpu.memory_space<vmem>>, vector<16xi32>,
      tpu.vector_store %arg7[%swap3A], %add3A_358 {strides = array<i32>} : memref<128xi32, #tpu.memory_space<vmem>>, vector<16xi32>,
      %add3A_360 = arith.constant 0 : i32
      %add3A_361 = arith.addi %add3A_351, %add3A_360 : i32
      %add3A_362 = arith.constant 0 : i32
      %add3A_363 = arith.addi %add3A_361, %add3A_362 : i32
      %mul3A_364 = arith.constant 200 : i32
      %mul3A_365 = vector.broadcast %mul3A_364 : i32 to vector<16xi32>
      %mul3A_366 = arith.muli %mul3A_365, %iota3A : vector<16xi32>
      %add3A_367 = vector.broadcast %add3A_363 : i32 to vector<16xi32>
      %add3A_368 = arith.addi %add3A_367, %mul3A_366 : vector<16xi32>
      %swap3A_369 = arith.constant 0 : index
      %swap3A_370 = tpu.vector_load %arg11[%swap3A_369] {strides = array<i32>} : memref<128xi32, #tpu.memory_space<vmem>>, vector<16xi32>,
      tpu.vector_store %arg11[%swap3A_369], %add3A_368 {strides = array<i32>} : memref<128xi32, #tpu.memory_space<vmem>>, vector<16xi32>,
      %get3A_371 = arith.constant 16 : index
      %get3A_372 = tpu.vector_load %arg5[%get3A_371] {strides = array<i32>} : memref<512xi32, #tpu.memory_space<vmem>>, vector<16xi32>,
      %get3A_373 = arith.constant 144 : index
      %get3A_374 = tpu.vector_load %arg5[%get3A_373] {strides = array<i32>} : memref<512xi32, #tpu.memory_space<vmem>>, vector<16xi32>,
      %mul3A_375 = arith.constant 60 : i32
      %mul3A_376 = vector.broadcast %mul3A_375 : i32 to vector<16xi32>
      %mul3A_377 = arith.muli %get3A_372, %mul3A_376 : vector<16xi32>
      %add3A_378 = arith.addi %mul3A_377, %get3A_374 : vector<16xi32>
      %swap3A_379 = arith.constant 16 : index
      %swap3A_380 = tpu.vector_load %arg7[%swap3A_379] {strides = array<i32>} : memref<128xi32, #tpu.memory_space<vmem>>, vector<16xi32>,
      tpu.vector_store %arg7[%swap3A_379], %add3A_378 {strides = array<i32>} : memref<128xi32, #tpu.memory_space<vmem>>, vector<16xi32>,
      %add3A_381 = arith.constant 0 : i32
      %add3A_382 = arith.addi %add3A_351, %add3A_381 : i32
      %add3A_383 = arith.constant 3200 : i32
      %add3A_384 = arith.addi %add3A_382, %add3A_383 : i32
      %mul3A_385 = arith.constant 200 : i32
      %mul3A_386 = vector.broadcast %mul3A_385 : i32 to vector<16xi32>
      %mul3A_387 = arith.muli %mul3A_386, %iota3A : vector<16xi32>
      %add3A_388 = vector.broadcast %add3A_384 : i32 to vector<16xi32>
      %add3A_389 = arith.addi %add3A_388, %mul3A_387 : vector<16xi32>
      %swap3A_390 = arith.constant 16 : index
      %swap3A_391 = tpu.vector_load %arg11[%swap3A_390] {strides = array<i32>} : memref<128xi32, #tpu.memory_space<vmem>>, vector<16xi32>,
      tpu.vector_store %arg11[%swap3A_390], %add3A_389 {strides = array<i32>} : memref<128xi32, #tpu.memory_space<vmem>>, vector<16xi32>,
      %get3A_392 = arith.constant 32 : index
      %get3A_393 = tpu.vector_load %arg5[%get3A_392] {strides = array<i32>} : memref<512xi32, #tpu.memory_space<vmem>>, vector<16xi32>,
      %get3A_394 = arith.constant 160 : index
      %get3A_395 = tpu.vector_load %arg5[%get3A_394] {strides = array<i32>} : memref<512xi32, #tpu.memory_space<vmem>>, vector<16xi32>,
      %mul3A_396 = arith.constant 60 : i32
      %mul3A_397 = vector.broadcast %mul3A_396 : i32 to vector<16xi32>
      %mul3A_398 = arith.muli %get3A_393, %mul3A_397 : vector<16xi32>
      %add3A_399 = arith.addi %mul3A_398, %get3A_395 : vector<16xi32>
      %swap3A_400 = arith.constant 32 : index
      %swap3A_401 = tpu.vector_load %arg7[%swap3A_400] {strides = array<i32>} : memref<128xi32, #tpu.memory_space<vmem>>, vector<16xi32>,
      tpu.vector_store %arg7[%swap3A_400], %add3A_399 {strides = array<i32>} : memref<128xi32, #tpu.memory_space<vmem>>, vector<16xi32>,
      %add3A_402 = arith.constant 0 : i32
      %add3A_403 = arith.addi %add3A_351, %add3A_402 : i32
      %add3A_404 = arith.constant 6400 : i32
      %add3A_405 = arith.addi %add3A_403, %add3A_404 : i32
      %mul3A_406 = arith.constant 200 : i32
      %mul3A_407 = vector.broadcast %mul3A_406 : i32 to vector<16xi32>
      %mul3A_408 = arith.muli %mul3A_407, %iota3A : vector<16xi32>
      %add3A_409 = vector.broadcast %add3A_405 : i32 to vector<16xi32>
      %add3A_410 = arith.addi %add3A_409, %mul3A_408 : vector<16xi32>
      %swap3A_411 = arith.constant 32 : index
      %swap3A_412 = tpu.vector_load %arg11[%swap3A_411] {strides = array<i32>} : memref<128xi32, #tpu.memory_space<vmem>>, vector<16xi32>,
      tpu.vector_store %arg11[%swap3A_411], %add3A_410 {strides = array<i32>} : memref<128xi32, #tpu.memory_space<vmem>>, vector<16xi32>,
      %get3A_413 = arith.constant 48 : index
      %get3A_414 = tpu.vector_load %arg5[%get3A_413] {strides = array<i32>} : memref<512xi32, #tpu.memory_space<vmem>>, vector<16xi32>,
      %get3A_415 = arith.constant 176 : index
      %get3A_416 = tpu.vector_load %arg5[%get3A_415] {strides = array<i32>} : memref<512xi32, #tpu.memory_space<vmem>>, vector<16xi32>,
      %mul3A_417 = arith.constant 60 : i32
      %mul3A_418 = vector.broadcast %mul3A_417 : i32 to vector<16xi32>
      %mul3A_419 = arith.muli %get3A_414, %mul3A_418 : vector<16xi32>
      %add3A_420 = arith.addi %mul3A_419, %get3A_416 : vector<16xi32>
      %swap3A_421 = arith.constant 48 : index
      %swap3A_422 = tpu.vector_load %arg7[%swap3A_421] {strides = array<i32>} : memref<128xi32, #tpu.memory_space<vmem>>, vector<16xi32>,
      tpu.vector_store %arg7[%swap3A_421], %add3A_420 {strides = array<i32>} : memref<128xi32, #tpu.memory_space<vmem>>, vector<16xi32>,
      %add3A_423 = arith.constant 0 : i32
      %add3A_424 = arith.addi %add3A_351, %add3A_423 : i32
      %add3A_425 = arith.constant 9600 : i32
      %add3A_426 = arith.addi %add3A_424, %add3A_425 : i32
      %mul3A_427 = arith.constant 200 : i32
      %mul3A_428 = vector.broadcast %mul3A_427 : i32 to vector<16xi32>
      %mul3A_429 = arith.muli %mul3A_428, %iota3A : vector<16xi32>
      %add3A_430 = vector.broadcast %add3A_426 : i32 to vector<16xi32>
      %add3A_431 = arith.addi %add3A_430, %mul3A_429 : vector<16xi32>
      %swap3A_432 = arith.constant 48 : index
      %swap3A_433 = tpu.vector_load %arg11[%swap3A_432] {strides = array<i32>} : memref<128xi32, #tpu.memory_space<vmem>>, vector<16xi32>,
      tpu.vector_store %arg11[%swap3A_432], %add3A_431 {strides = array<i32>} : memref<128xi32, #tpu.memory_space<vmem>>, vector<16xi32>,
      %get3A_434 = arith.constant 64 : index
      %get3A_435 = tpu.vector_load %arg5[%get3A_434] {strides = array<i32>} : memref<512xi32, #tpu.memory_space<vmem>>, vector<16xi32>,
      %get3A_436 = arith.constant 192 : index
      %get3A_437 = tpu.vector_load %arg5[%get3A_436] {strides = array<i32>} : memref<512xi32, #tpu.memory_space<vmem>>, vector<16xi32>,
      %mul3A_438 = arith.constant 60 : i32
      %mul3A_439 = vector.broadcast %mul3A_438 : i32 to vector<16xi32>
      %mul3A_440 = arith.muli %get3A_435, %mul3A_439 : vector<16xi32>
      %add3A_441 = arith.addi %mul3A_440, %get3A_437 : vector<16xi32>
      %swap3A_442 = arith.constant 64 : index
      %swap3A_443 = tpu.vector_load %arg7[%swap3A_442] {strides = array<i32>} : memref<128xi32, #tpu.memory_space<vmem>>, vector<16xi32>,
      tpu.vector_store %arg7[%swap3A_442], %add3A_441 {strides = array<i32>} : memref<128xi32, #tpu.memory_space<vmem>>, vector<16xi32>,
      %add3A_444 = arith.constant 0 : i32
      %add3A_445 = arith.addi %add3A_351, %add3A_444 : i32
      %add3A_446 = arith.constant 12800 : i32
      %add3A_447 = arith.addi %add3A_445, %add3A_446 : i32
      %mul3A_448 = arith.constant 200 : i32
      %mul3A_449 = vector.broadcast %mul3A_448 : i32 to vector<16xi32>
      %mul3A_450 = arith.muli %mul3A_449, %iota3A : vector<16xi32>
      %add3A_451 = vector.broadcast %add3A_447 : i32 to vector<16xi32>
      %add3A_452 = arith.addi %add3A_451, %mul3A_450 : vector<16xi32>
      %swap3A_453 = arith.constant 64 : index
      %swap3A_454 = tpu.vector_load %arg11[%swap3A_453] {strides = array<i32>} : memref<128xi32, #tpu.memory_space<vmem>>, vector<16xi32>,
      tpu.vector_store %arg11[%swap3A_453], %add3A_452 {strides = array<i32>} : memref<128xi32, #tpu.memory_space<vmem>>, vector<16xi32>,
      %get3A_455 = arith.constant 80 : index
      %get3A_456 = tpu.vector_load %arg5[%get3A_455] {strides = array<i32>} : memref<512xi32, #tpu.memory_space<vmem>>, vector<16xi32>,
      %get3A_457 = arith.constant 208 : index
      %get3A_458 = tpu.vector_load %arg5[%get3A_457] {strides = array<i32>} : memref<512xi32, #tpu.memory_space<vmem>>, vector<16xi32>,
      %mul3A_459 = arith.constant 60 : i32
      %mul3A_460 = vector.broadcast %mul3A_459 : i32 to vector<16xi32>
      %mul3A_461 = arith.muli %get3A_456, %mul3A_460 : vector<16xi32>
      %add3A_462 = arith.addi %mul3A_461, %get3A_458 : vector<16xi32>
      %swap3A_463 = arith.constant 80 : index
      %swap3A_464 = tpu.vector_load %arg7[%swap3A_463] {strides = array<i32>} : memref<128xi32, #tpu.memory_space<vmem>>, vector<16xi32>,
      tpu.vector_store %arg7[%swap3A_463], %add3A_462 {strides = array<i32>} : memref<128xi32, #tpu.memory_space<vmem>>, vector<16xi32>,
      %add3A_465 = arith.constant 0 : i32
      %add3A_466 = arith.addi %add3A_351, %add3A_465 : i32
      %add3A_467 = arith.constant 16000 : i32
      %add3A_468 = arith.addi %add3A_466, %add3A_467 : i32
      %mul3A_469 = arith.constant 200 : i32
      %mul3A_470 = vector.broadcast %mul3A_469 : i32 to vector<16xi32>
      %mul3A_471 = arith.muli %mul3A_470, %iota3A : vector<16xi32>
      %add3A_472 = vector.broadcast %add3A_468 : i32 to vector<16xi32>
      %add3A_473 = arith.addi %add3A_472, %mul3A_471 : vector<16xi32>
      %swap3A_474 = arith.constant 80 : index
      %swap3A_475 = tpu.vector_load %arg11[%swap3A_474] {strides = array<i32>} : memref<128xi32, #tpu.memory_space<vmem>>, vector<16xi32>,
      tpu.vector_store %arg11[%swap3A_474], %add3A_473 {strides = array<i32>} : memref<128xi32, #tpu.memory_space<vmem>>, vector<16xi32>,
      %get3A_476 = arith.constant 96 : index
      %get3A_477 = tpu.vector_load %arg5[%get3A_476] {strides = array<i32>} : memref<512xi32, #tpu.memory_space<vmem>>, vector<16xi32>,
      %get3A_478 = arith.constant 224 : index
      %get3A_479 = tpu.vector_load %arg5[%get3A_478] {strides = array<i32>} : memref<512xi32, #tpu.memory_space<vmem>>, vector<16xi32>,
      %mul3A_480 = arith.constant 60 : i32
      %mul3A_481 = vector.broadcast %mul3A_480 : i32 to vector<16xi32>
      %mul3A_482 = arith.muli %get3A_477, %mul3A_481 : vector<16xi32>
      %add3A_483 = arith.addi %mul3A_482, %get3A_479 : vector<16xi32>
      %swap3A_484 = arith.constant 96 : index
      %swap3A_485 = tpu.vector_load %arg7[%swap3A_484] {strides = array<i32>} : memref<128xi32, #tpu.memory_space<vmem>>, vector<16xi32>,
      tpu.vector_store %arg7[%swap3A_484], %add3A_483 {strides = array<i32>} : memref<128xi32, #tpu.memory_space<vmem>>, vector<16xi32>,
      %add3A_486 = arith.constant 0 : i32
      %add3A_487 = arith.addi %add3A_351, %add3A_486 : i32
      %add3A_488 = arith.constant 19200 : i32
      %add3A_489 = arith.addi %add3A_487, %add3A_488 : i32
      %mul3A_490 = arith.constant 200 : i32
      %mul3A_491 = vector.broadcast %mul3A_490 : i32 to vector<16xi32>
      %mul3A_492 = arith.muli %mul3A_491, %iota3A : vector<16xi32>
      %add3A_493 = vector.broadcast %add3A_489 : i32 to vector<16xi32>
      %add3A_494 = arith.addi %add3A_493, %mul3A_492 : vector<16xi32>
      %swap3A_495 = arith.constant 96 : index
      %swap3A_496 = tpu.vector_load %arg11[%swap3A_495] {strides = array<i32>} : memref<128xi32, #tpu.memory_space<vmem>>, vector<16xi32>,
      tpu.vector_store %arg11[%swap3A_495], %add3A_494 {strides = array<i32>} : memref<128xi32, #tpu.memory_space<vmem>>, vector<16xi32>,
      %get3A_497 = arith.constant 112 : index
      %get3A_498 = tpu.vector_load %arg5[%get3A_497] {strides = array<i32>} : memref<512xi32, #tpu.memory_space<vmem>>, vector<16xi32>,
      %get3A_499 = arith.constant 240 : index
      %get3A_500 = tpu.vector_load %arg5[%get3A_499] {strides = array<i32>} : memref<512xi32, #tpu.memory_space<vmem>>, vector<16xi32>,
      %mul3A_501 = arith.constant 60 : i32
      %mul3A_502 = vector.broadcast %mul3A_501 : i32 to vector<16xi32>
      %mul3A_503 = arith.muli %get3A_498, %mul3A_502 : vector<16xi32>
      %add3A_504 = arith.addi %mul3A_503, %get3A_500 : vector<16xi32>
      %swap3A_505 = arith.constant 112 : index
      %swap3A_506 = tpu.vector_load %arg7[%swap3A_505] {strides = array<i32>} : memref<128xi32, #tpu.memory_space<vmem>>, vector<16xi32>,
      tpu.vector_store %arg7[%swap3A_505], %add3A_504 {strides = array<i32>} : memref<128xi32, #tpu.memory_space<vmem>>, vector<16xi32>,
      %add3A_507 = arith.constant 0 : i32
      %add3A_508 = arith.addi %add3A_351, %add3A_507 : i32
      %add3A_509 = arith.constant 22400 : i32
      %add3A_510 = arith.addi %add3A_508, %add3A_509 : i32
      %mul3A_511 = arith.constant 200 : i32
      %mul3A_512 = vector.broadcast %mul3A_511 : i32 to vector<16xi32>
      %mul3A_513 = arith.muli %mul3A_512, %iota3A : vector<16xi32>
      %add3A_514 = vector.broadcast %add3A_510 : i32 to vector<16xi32>
      %add3A_515 = arith.addi %add3A_514, %mul3A_513 : vector<16xi32>
      %swap3A_516 = arith.constant 112 : index
      %swap3A_517 = tpu.vector_load %arg11[%swap3A_516] {strides = array<i32>} : memref<128xi32, #tpu.memory_space<vmem>>, vector<16xi32>,
      tpu.vector_store %arg11[%swap3A_516], %add3A_515 {strides = array<i32>} : memref<128xi32, #tpu.memory_space<vmem>>, vector<16xi32>,
      %get3A_518 = arith.constant 256 : index
      %get3A_519 = tpu.vector_load %arg5[%get3A_518] {strides = array<i32>} : memref<512xi32, #tpu.memory_space<vmem>>, vector<16xi32>,
      %get3A_520 = arith.constant 384 : index
      %get3A_521 = tpu.vector_load %arg5[%get3A_520] {strides = array<i32>} : memref<512xi32, #tpu.memory_space<vmem>>, vector<16xi32>,
      %mul3A_522 = arith.constant 60 : i32
      %mul3A_523 = vector.broadcast %mul3A_522 : i32 to vector<16xi32>
      %mul3A_524 = arith.muli %get3A_519, %mul3A_523 : vector<16xi32>
      %add3A_525 = arith.addi %mul3A_524, %get3A_521 : vector<16xi32>
      %swap3A_526 = arith.constant 0 : index
      %swap3A_527 = tpu.vector_load %arg8[%swap3A_526] {strides = array<i32>} : memref<128xi32, #tpu.memory_space<vmem>>, vector<16xi32>,
      tpu.vector_store %arg8[%swap3A_526], %add3A_525 {strides = array<i32>} : memref<128xi32, #tpu.memory_space<vmem>>, vector<16xi32>,
      %add3A_528 = arith.constant 1 : i32
      %add3A_529 = arith.addi %add3A_351, %add3A_528 : i32
      %add3A_530 = arith.constant 0 : i32
      %add3A_531 = arith.addi %add3A_529, %add3A_530 : i32
      %mul3A_532 = arith.constant 200 : i32
      %mul3A_533 = vector.broadcast %mul3A_532 : i32 to vector<16xi32>
      %mul3A_534 = arith.muli %mul3A_533, %iota3A : vector<16xi32>
      %add3A_535 = vector.broadcast %add3A_531 : i32 to vector<16xi32>
      %add3A_536 = arith.addi %add3A_535, %mul3A_534 : vector<16xi32>
      %swap3A_537 = arith.constant 0 : index
      %swap3A_538 = tpu.vector_load %arg12[%swap3A_537] {strides = array<i32>} : memref<128xi32, #tpu.memory_space<vmem>>, vector<16xi32>,
      tpu.vector_store %arg12[%swap3A_537], %add3A_536 {strides = array<i32>} : memref<128xi32, #tpu.memory_space<vmem>>, vector<16xi32>,
      %get3A_539 = arith.constant 272 : index
      %get3A_540 = tpu.vector_load %arg5[%get3A_539] {strides = array<i32>} : memref<512xi32, #tpu.memory_space<vmem>>, vector<16xi32>,
      %get3A_541 = arith.constant 400 : index
      %get3A_542 = tpu.vector_load %arg5[%get3A_541] {strides = array<i32>} : memref<512xi32, #tpu.memory_space<vmem>>, vector<16xi32>,
      %mul3A_543 = arith.constant 60 : i32
      %mul3A_544 = vector.broadcast %mul3A_543 : i32 to vector<16xi32>
      %mul3A_545 = arith.muli %get3A_540, %mul3A_544 : vector<16xi32>
      %add3A_546 = arith.addi %mul3A_545, %get3A_542 : vector<16xi32>
      %swap3A_547 = arith.constant 16 : index
      %swap3A_548 = tpu.vector_load %arg8[%swap3A_547] {strides = array<i32>} : memref<128xi32, #tpu.memory_space<vmem>>, vector<16xi32>,
      tpu.vector_store %arg8[%swap3A_547], %add3A_546 {strides = array<i32>} : memref<128xi32, #tpu.memory_space<vmem>>, vector<16xi32>,
      %add3A_549 = arith.constant 1 : i32
      %add3A_550 = arith.addi %add3A_351, %add3A_549 : i32
      %add3A_551 = arith.constant 3200 : i32
      %add3A_552 = arith.addi %add3A_550, %add3A_551 : i32
      %mul3A_553 = arith.constant 200 : i32
      %mul3A_554 = vector.broadcast %mul3A_553 : i32 to vector<16xi32>
      %mul3A_555 = arith.muli %mul3A_554, %iota3A : vector<16xi32>
      %add3A_556 = vector.broadcast %add3A_552 : i32 to vector<16xi32>
      %add3A_557 = arith.addi %add3A_556, %mul3A_555 : vector<16xi32>
      %swap3A_558 = arith.constant 16 : index
      %swap3A_559 = tpu.vector_load %arg12[%swap3A_558] {strides = array<i32>} : memref<128xi32, #tpu.memory_space<vmem>>, vector<16xi32>,
      tpu.vector_store %arg12[%swap3A_558], %add3A_557 {strides = array<i32>} : memref<128xi32, #tpu.memory_space<vmem>>, vector<16xi32>,
      %get3A_560 = arith.constant 288 : index
      %get3A_561 = tpu.vector_load %arg5[%get3A_560] {strides = array<i32>} : memref<512xi32, #tpu.memory_space<vmem>>, vector<16xi32>,
      %get3A_562 = arith.constant 416 : index
      %get3A_563 = tpu.vector_load %arg5[%get3A_562] {strides = array<i32>} : memref<512xi32, #tpu.memory_space<vmem>>, vector<16xi32>,
      %mul3A_564 = arith.constant 60 : i32
      %mul3A_565 = vector.broadcast %mul3A_564 : i32 to vector<16xi32>
      %mul3A_566 = arith.muli %get3A_561, %mul3A_565 : vector<16xi32>
      %add3A_567 = arith.addi %mul3A_566, %get3A_563 : vector<16xi32>
      %swap3A_568 = arith.constant 32 : index
      %swap3A_569 = tpu.vector_load %arg8[%swap3A_568] {strides = array<i32>} : memref<128xi32, #tpu.memory_space<vmem>>, vector<16xi32>,
      tpu.vector_store %arg8[%swap3A_568], %add3A_567 {strides = array<i32>} : memref<128xi32, #tpu.memory_space<vmem>>, vector<16xi32>,
      %add3A_570 = arith.constant 1 : i32
      %add3A_571 = arith.addi %add3A_351, %add3A_570 : i32
      %add3A_572 = arith.constant 6400 : i32
      %add3A_573 = arith.addi %add3A_571, %add3A_572 : i32
      %mul3A_574 = arith.constant 200 : i32
      %mul3A_575 = vector.broadcast %mul3A_574 : i32 to vector<16xi32>
      %mul3A_576 = arith.muli %mul3A_575, %iota3A : vector<16xi32>
      %add3A_577 = vector.broadcast %add3A_573 : i32 to vector<16xi32>
      %add3A_578 = arith.addi %add3A_577, %mul3A_576 : vector<16xi32>
      %swap3A_579 = arith.constant 32 : index
      %swap3A_580 = tpu.vector_load %arg12[%swap3A_579] {strides = array<i32>} : memref<128xi32, #tpu.memory_space<vmem>>, vector<16xi32>,
      tpu.vector_store %arg12[%swap3A_579], %add3A_578 {strides = array<i32>} : memref<128xi32, #tpu.memory_space<vmem>>, vector<16xi32>,
      %get3A_581 = arith.constant 304 : index
      %get3A_582 = tpu.vector_load %arg5[%get3A_581] {strides = array<i32>} : memref<512xi32, #tpu.memory_space<vmem>>, vector<16xi32>,
      %get3A_583 = arith.constant 432 : index
      %get3A_584 = tpu.vector_load %arg5[%get3A_583] {strides = array<i32>} : memref<512xi32, #tpu.memory_space<vmem>>, vector<16xi32>,
      %mul3A_585 = arith.constant 60 : i32
      %mul3A_586 = vector.broadcast %mul3A_585 : i32 to vector<16xi32>
      %mul3A_587 = arith.muli %get3A_582, %mul3A_586 : vector<16xi32>
      %add3A_588 = arith.addi %mul3A_587, %get3A_584 : vector<16xi32>
      %swap3A_589 = arith.constant 48 : index
      %swap3A_590 = tpu.vector_load %arg8[%swap3A_589] {strides = array<i32>} : memref<128xi32, #tpu.memory_space<vmem>>, vector<16xi32>,
      tpu.vector_store %arg8[%swap3A_589], %add3A_588 {strides = array<i32>} : memref<128xi32, #tpu.memory_space<vmem>>, vector<16xi32>,
      %add3A_591 = arith.constant 1 : i32
      %add3A_592 = arith.addi %add3A_351, %add3A_591 : i32
      %add3A_593 = arith.constant 9600 : i32
      %add3A_594 = arith.addi %add3A_592, %add3A_593 : i32
      %mul3A_595 = arith.constant 200 : i32
      %mul3A_596 = vector.broadcast %mul3A_595 : i32 to vector<16xi32>
      %mul3A_597 = arith.muli %mul3A_596, %iota3A : vector<16xi32>
      %add3A_598 = vector.broadcast %add3A_594 : i32 to vector<16xi32>
      %add3A_599 = arith.addi %add3A_598, %mul3A_597 : vector<16xi32>
      %swap3A_600 = arith.constant 48 : index
      %swap3A_601 = tpu.vector_load %arg12[%swap3A_600] {strides = array<i32>} : memref<128xi32, #tpu.memory_space<vmem>>, vector<16xi32>,
      tpu.vector_store %arg12[%swap3A_600], %add3A_599 {strides = array<i32>} : memref<128xi32, #tpu.memory_space<vmem>>, vector<16xi32>,
      %get3A_602 = arith.constant 320 : index
      %get3A_603 = tpu.vector_load %arg5[%get3A_602] {strides = array<i32>} : memref<512xi32, #tpu.memory_space<vmem>>, vector<16xi32>,
      %get3A_604 = arith.constant 448 : index
      %get3A_605 = tpu.vector_load %arg5[%get3A_604] {strides = array<i32>} : memref<512xi32, #tpu.memory_space<vmem>>, vector<16xi32>,
      %mul3A_606 = arith.constant 60 : i32
      %mul3A_607 = vector.broadcast %mul3A_606 : i32 to vector<16xi32>
      %mul3A_608 = arith.muli %get3A_603, %mul3A_607 : vector<16xi32>
      %add3A_609 = arith.addi %mul3A_608, %get3A_605 : vector<16xi32>
      %swap3A_610 = arith.constant 64 : index
      %swap3A_611 = tpu.vector_load %arg8[%swap3A_610] {strides = array<i32>} : memref<128xi32, #tpu.memory_space<vmem>>, vector<16xi32>,
      tpu.vector_store %arg8[%swap3A_610], %add3A_609 {strides = array<i32>} : memref<128xi32, #tpu.memory_space<vmem>>, vector<16xi32>,
      %add3A_612 = arith.constant 1 : i32
      %add3A_613 = arith.addi %add3A_351, %add3A_612 : i32
      %add3A_614 = arith.constant 12800 : i32
      %add3A_615 = arith.addi %add3A_613, %add3A_614 : i32
      %mul3A_616 = arith.constant 200 : i32
      %mul3A_617 = vector.broadcast %mul3A_616 : i32 to vector<16xi32>
      %mul3A_618 = arith.muli %mul3A_617, %iota3A : vector<16xi32>
      %add3A_619 = vector.broadcast %add3A_615 : i32 to vector<16xi32>
      %add3A_620 = arith.addi %add3A_619, %mul3A_618 : vector<16xi32>
      %swap3A_621 = arith.constant 64 : index
      %swap3A_622 = tpu.vector_load %arg12[%swap3A_621] {strides = array<i32>} : memref<128xi32, #tpu.memory_space<vmem>>, vector<16xi32>,
      tpu.vector_store %arg12[%swap3A_621], %add3A_620 {strides = array<i32>} : memref<128xi32, #tpu.memory_space<vmem>>, vector<16xi32>,
      %get3A_623 = arith.constant 336 : index
      %get3A_624 = tpu.vector_load %arg5[%get3A_623] {strides = array<i32>} : memref<512xi32, #tpu.memory_space<vmem>>, vector<16xi32>,
      %get3A_625 = arith.constant 464 : index
      %get3A_626 = tpu.vector_load %arg5[%get3A_625] {strides = array<i32>} : memref<512xi32, #tpu.memory_space<vmem>>, vector<16xi32>,
      %mul3A_627 = arith.constant 60 : i32
      %mul3A_628 = vector.broadcast %mul3A_627 : i32 to vector<16xi32>
      %mul3A_629 = arith.muli %get3A_624, %mul3A_628 : vector<16xi32>
      %add3A_630 = arith.addi %mul3A_629, %get3A_626 : vector<16xi32>
      %swap3A_631 = arith.constant 80 : index
      %swap3A_632 = tpu.vector_load %arg8[%swap3A_631] {strides = array<i32>} : memref<128xi32, #tpu.memory_space<vmem>>, vector<16xi32>,
      tpu.vector_store %arg8[%swap3A_631], %add3A_630 {strides = array<i32>} : memref<128xi32, #tpu.memory_space<vmem>>, vector<16xi32>,
      %add3A_633 = arith.constant 1 : i32
      %add3A_634 = arith.addi %add3A_351, %add3A_633 : i32
      %add3A_635 = arith.constant 16000 : i32
      %add3A_636 = arith.addi %add3A_634, %add3A_635 : i32
      %mul3A_637 = arith.constant 200 : i32
      %mul3A_638 = vector.broadcast %mul3A_637 : i32 to vector<16xi32>
      %mul3A_639 = arith.muli %mul3A_638, %iota3A : vector<16xi32>
      %add3A_640 = vector.broadcast %add3A_636 : i32 to vector<16xi32>
      %add3A_641 = arith.addi %add3A_640, %mul3A_639 : vector<16xi32>
      %swap3A_642 = arith.constant 80 : index
      %swap3A_643 = tpu.vector_load %arg12[%swap3A_642] {strides = array<i32>} : memref<128xi32, #tpu.memory_space<vmem>>, vector<16xi32>,
      tpu.vector_store %arg12[%swap3A_642], %add3A_641 {strides = array<i32>} : memref<128xi32, #tpu.memory_space<vmem>>, vector<16xi32>,
      %get3A_644 = arith.constant 352 : index
      %get3A_645 = tpu.vector_load %arg5[%get3A_644] {strides = array<i32>} : memref<512xi32, #tpu.memory_space<vmem>>, vector<16xi32>,
      %get3A_646 = arith.constant 480 : index
      %get3A_647 = tpu.vector_load %arg5[%get3A_646] {strides = array<i32>} : memref<512xi32, #tpu.memory_space<vmem>>, vector<16xi32>,
      %mul3A_648 = arith.constant 60 : i32
      %mul3A_649 = vector.broadcast %mul3A_648 : i32 to vector<16xi32>
      %mul3A_650 = arith.muli %get3A_645, %mul3A_649 : vector<16xi32>
      %add3A_651 = arith.addi %mul3A_650, %get3A_647 : vector<16xi32>
      %swap3A_652 = arith.constant 96 : index
      %swap3A_653 = tpu.vector_load %arg8[%swap3A_652] {strides = array<i32>} : memref<128xi32, #tpu.memory_space<vmem>>, vector<16xi32>,
      tpu.vector_store %arg8[%swap3A_652], %add3A_651 {strides = array<i32>} : memref<128xi32, #tpu.memory_space<vmem>>, vector<16xi32>,
      %add3A_654 = arith.constant 1 : i32
      %add3A_655 = arith.addi %add3A_351, %add3A_654 : i32
      %add3A_656 = arith.constant 19200 : i32
      %add3A_657 = arith.addi %add3A_655, %add3A_656 : i32
      %mul3A_658 = arith.constant 200 : i32
      %mul3A_659 = vector.broadcast %mul3A_658 : i32 to vector<16xi32>
      %mul3A_660 = arith.muli %mul3A_659, %iota3A : vector<16xi32>
      %add3A_661 = vector.broadcast %add3A_657 : i32 to vector<16xi32>
      %add3A_662 = arith.addi %add3A_661, %mul3A_660 : vector<16xi32>
      %swap3A_663 = arith.constant 96 : index
      %swap3A_664 = tpu.vector_load %arg12[%swap3A_663] {strides = array<i32>} : memref<128xi32, #tpu.memory_space<vmem>>, vector<16xi32>,
      tpu.vector_store %arg12[%swap3A_663], %add3A_662 {strides = array<i32>} : memref<128xi32, #tpu.memory_space<vmem>>, vector<16xi32>,
      %get3A_665 = arith.constant 368 : index
      %get3A_666 = tpu.vector_load %arg5[%get3A_665] {strides = array<i32>} : memref<512xi32, #tpu.memory_space<vmem>>, vector<16xi32>,
      %get3A_667 = arith.constant 496 : index
      %get3A_668 = tpu.vector_load %arg5[%get3A_667] {strides = array<i32>} : memref<512xi32, #tpu.memory_space<vmem>>, vector<16xi32>,
      %mul3A_669 = arith.constant 60 : i32
      %mul3A_670 = vector.broadcast %mul3A_669 : i32 to vector<16xi32>
      %mul3A_671 = arith.muli %get3A_666, %mul3A_670 : vector<16xi32>
      %add3A_672 = arith.addi %mul3A_671, %get3A_668 : vector<16xi32>
      %swap3A_673 = arith.constant 112 : index
      %swap3A_674 = tpu.vector_load %arg8[%swap3A_673] {strides = array<i32>} : memref<128xi32, #tpu.memory_space<vmem>>, vector<16xi32>,
      tpu.vector_store %arg8[%swap3A_673], %add3A_672 {strides = array<i32>} : memref<128xi32, #tpu.memory_space<vmem>>, vector<16xi32>,
      %add3A_675 = arith.constant 1 : i32
      %add3A_676 = arith.addi %add3A_351, %add3A_675 : i32
      %add3A_677 = arith.constant 22400 : i32
      %add3A_678 = arith.addi %add3A_676, %add3A_677 : i32
      %mul3A_679 = arith.constant 200 : i32
      %mul3A_680 = vector.broadcast %mul3A_679 : i32 to vector<16xi32>
      %mul3A_681 = arith.muli %mul3A_680, %iota3A : vector<16xi32>
      %add3A_682 = vector.broadcast %add3A_678 : i32 to vector<16xi32>
      %add3A_683 = arith.addi %add3A_682, %mul3A_681 : vector<16xi32>
      %swap3A_684 = arith.constant 112 : index
      %swap3A_685 = tpu.vector_load %arg12[%swap3A_684] {strides = array<i32>} : memref<128xi32, #tpu.memory_space<vmem>>, vector<16xi32>,
      tpu.vector_store %arg12[%swap3A_684], %add3A_683 {strides = array<i32>} : memref<128xi32, #tpu.memory_space<vmem>>, vector<16xi32>,
      %add3A_686 = arith.constant 2 : i32
      %add3A_687 = arith.addi %mul3A_283, %add3A_686 : i32
      %min3A = arith.constant 399 : i32
      %min3A_688 = arith.minsi %add3A_687, %min3A : i32
      %add3A_689 = arith.addi %mul3A_2, %min3A_688 : i32
      %jit3A_690 = arith.constant 128 : i32
      %div3A_691 = arith.divsi %add3A_689, %jit3A_690 : i32
      %sign3A_692 = arith.constant 0 : i32
      %sign3A_693 = arith.cmpi sgt, %add3A_689, %sign3A_692 : i32
      %sign3A_694 = arith.extui %sign3A_693 : i1 to i32
      %sign3A_695 = arith.constant 0 : i32
      %sign3A_696 = arith.cmpi slt, %add3A_689, %sign3A_695 : i32
      %sign3A_697 = arith.extui %sign3A_696 : i1 to i32
      %sign3A_698 = arith.subi %sign3A_694, %sign3A_697 : i32
      %sign3A_699 = arith.constant 0 : i32
      %sign3A_700 = arith.cmpi sgt, %jit3A_690, %sign3A_699 : i32
      %sign3A_701 = arith.extui %sign3A_700 : i1 to i32
      %sign3A_702 = arith.constant 0 : i32
      %sign3A_703 = arith.cmpi slt, %jit3A_690, %sign3A_702 : i32
      %sign3A_704 = arith.extui %sign3A_703 : i1 to i32
      %sign3A_705 = arith.subi %sign3A_701, %sign3A_704 : i32
      %ne3A_706 = arith.cmpi ne, %sign3A_698, %sign3A_705 : i32
      %rem3A_707 = arith.remsi %add3A_689, %jit3A_690 : i32
      %ne3A_708 = arith.constant 0 : i32
      %ne3A_709 = arith.cmpi ne, %rem3A_707, %ne3A_708 : i32
      %and3A_710 = arith.andi %ne3A_706, %ne3A_709 : i1
      %sub3A_711 = arith.constant 1 : i32
      %sub3A_712 = arith.subi %div3A_691, %sub3A_711 : i32
      %select_n3A_713 = arith.select %and3A_710, %sub3A_712, %div3A_691 : i32
      %jit3A_714 = arith.constant 128 : i32
      %eq3A_715 = arith.constant 0 : i32
      %eq3A_716 = arith.cmpi eq, %jit3A_714, %eq3A_715 : i32
      %jit3A_717 = arith.constant 1 : i32
      %select_n3A_718 = arith.select %eq3A_716, %jit3A_717, %jit3A_714 : i32
      %rem3A_719 = arith.remsi %add3A_689, %select_n3A_718 : i32
      %ne3A_720 = arith.constant 0 : i32
      %ne3A_721 = arith.cmpi ne, %rem3A_719, %ne3A_720 : i32
      %lt3A_722 = arith.constant 0 : i32
      %lt3A_723 = arith.cmpi slt, %rem3A_719, %lt3A_722 : i32
      %lt3A_724 = arith.constant 0 : i32
      %lt3A_725 = arith.cmpi slt, %select_n3A_718, %lt3A_724 : i32
      %ne3A_726 = arith.xori %lt3A_723, %lt3A_725 : i1
      %and3A_727 = arith.andi %ne3A_726, %ne3A_721 : i1
      %add3A_728 = arith.addi %rem3A_719, %select_n3A_718 : i32
      %select_n3A_729 = arith.select %and3A_727, %add3A_728, %rem3A_719 : i32
      %mul3A_730 = arith.constant 2 : i32
      %mul3A_731 = arith.muli %select_n3A_713, %mul3A_730 : i32
      %add3A_732 = arith.constant 0 : i32
      %add3A_733 = arith.addi %mul3A_731, %add3A_732 : i32
      %mul3A_734 = arith.constant 128 : i32
      %mul3A_735 = arith.muli %add3A_733, %mul3A_734 : i32
      %add3A_736 = arith.addi %mul3A_735, %select_n3A_729 : i32
      %mul3A_737 = arith.constant 2 : i32
      %mul3A_738 = arith.muli %add3A_736, %mul3A_737 : i32
      %mul3A_739 = arith.constant 128 : i32
      %mul3A_740 = arith.muli %mul3A_738, %mul3A_739 : i32
      %dma_start3A_741 = arith.constant 0 : i32
      %dma_start3A_742 = arith.constant 0 : i32
      %dma_start3A_743 = tpu.memref_slice %arg5[%dma_start3A_742] : memref<512xi32, #tpu.memory_space<vmem>> -> memref<256xi32, #tpu.memory_space<vmem>>
      %dma_start3A_744 = tpu.memref_slice %arg2[%mul3A_740] : memref<6553600xi32, #tpu.memory_space<hbm>> -> memref<256xi32, #tpu.memory_space<hbm>>
      %dma_start3A_745 = tpu.memref_slice %arg17[%dma_start3A_741] : memref<2x!tpu.dma_semaphore, #tpu.memory_space<semaphore_mem>> -> memref<1x!tpu.dma_semaphore, #tpu.memory_space<semaphore_mem>>
      %dma_start3A_746 = tpu.memref_squeeze %dma_start3A_745 : memref<1x!tpu.dma_semaphore, #tpu.memory_space<semaphore_mem>> -> memref<!tpu.dma_semaphore, #tpu.memory_space<semaphore_mem>>
      %dma_start3A_747 = arith.constant 0 : i32
      %dma_start3A_748 = tpu.memref_slice %arg5[%dma_start3A_747] : memref<512xi32, #tpu.memory_space<vmem>> -> memref<256xi32, #tpu.memory_space<vmem>>
      %dma_start3A_749 = tpu.memref_slice %arg2[%mul3A_740] : memref<6553600xi32, #tpu.memory_space<hbm>> -> memref<256xi32, #tpu.memory_space<hbm>>
      tpu.enqueue_dma source(%dma_start3A_749 : memref<256xi32, #tpu.memory_space<hbm>>) target(%dma_start3A_748 : memref<256xi32, #tpu.memory_space<vmem>>) target_semaphore(%dma_start3A_746 : memref<!tpu.dma_semaphore, #tpu.memory_space<semaphore_mem>>)
      %mul3A_750 = arith.constant 2 : i32
      %mul3A_751 = arith.muli %select_n3A_713, %mul3A_750 : i32
      %add3A_752 = arith.constant 1 : i32
      %add3A_753 = arith.addi %mul3A_751, %add3A_752 : i32
      %mul3A_754 = arith.constant 128 : i32
      %mul3A_755 = arith.muli %add3A_753, %mul3A_754 : i32
      %add3A_756 = arith.addi %mul3A_755, %select_n3A_729 : i32
      %mul3A_757 = arith.constant 2 : i32
      %mul3A_758 = arith.muli %add3A_756, %mul3A_757 : i32
      %mul3A_759 = arith.constant 128 : i32
      %mul3A_760 = arith.muli %mul3A_758, %mul3A_759 : i32
      %dma_start3A_761 = arith.constant 0 : i32
      %dma_start3A_762 = arith.constant 256 : i32
      %dma_start3A_763 = tpu.memref_slice %arg5[%dma_start3A_762] : memref<512xi32, #tpu.memory_space<vmem>> -> memref<256xi32, #tpu.memory_space<vmem>>
      %dma_start3A_764 = tpu.memref_slice %arg2[%mul3A_760] : memref<6553600xi32, #tpu.memory_space<hbm>> -> memref<256xi32, #tpu.memory_space<hbm>>
      %dma_start3A_765 = tpu.memref_slice %arg17[%dma_start3A_761] : memref<2x!tpu.dma_semaphore, #tpu.memory_space<semaphore_mem>> -> memref<1x!tpu.dma_semaphore, #tpu.memory_space<semaphore_mem>>
      %dma_start3A_766 = tpu.memref_squeeze %dma_start3A_765 : memref<1x!tpu.dma_semaphore, #tpu.memory_space<semaphore_mem>> -> memref<!tpu.dma_semaphore, #tpu.memory_space<semaphore_mem>>
      %dma_start3A_767 = arith.constant 256 : i32
      %dma_start3A_768 = tpu.memref_slice %arg5[%dma_start3A_767] : memref<512xi32, #tpu.memory_space<vmem>> -> memref<256xi32, #tpu.memory_space<vmem>>
      %dma_start3A_769 = tpu.memref_slice %arg2[%mul3A_760] : memref<6553600xi32, #tpu.memory_space<hbm>> -> memref<256xi32, #tpu.memory_space<hbm>>
      tpu.enqueue_dma source(%dma_start3A_769 : memref<256xi32, #tpu.memory_space<hbm>>) target(%dma_start3A_768 : memref<256xi32, #tpu.memory_space<vmem>>) target_semaphore(%dma_start3A_766 : memref<!tpu.dma_semaphore, #tpu.memory_space<semaphore_mem>>)
      %ge3A = arith.constant 2 : i32
      %ge3A_770 = arith.cmpi sge, %mul3A_283, %ge3A : i32
      %convert_element_type3A_771 = arith.extui %ge3A_770 : i1 to i32
      %cond3A_772 = arith.constant 0 : i32
      %cond3A_773 = arith.cmpi ne, %convert_element_type3A_771, %cond3A_772 : i32
      scf.if %cond3A_773 {
        %dma_wait3A_1405 = arith.constant 0 : i32
        %dma_wait3A_1406 = arith.constant 0 : i32
        %dma_wait3A_1407 = arith.constant 0 : i32
        %dma_wait3A_1408 = arith.constant 0 : i32
        %dma_wait3A_1409 = tpu.memref_slice %arg15[%dma_wait3A_1405, %dma_wait3A_1407, %dma_wait3A_1408] : memref<2x256x128xf32, #tpu.memory_space<vmem>> -> memref<1x128x128xf32, #tpu.memory_space<vmem>>
        %dma_wait3A_1410 = tpu.memref_squeeze %dma_wait3A_1409 : memref<1x128x128xf32, #tpu.memory_space<vmem>> -> memref<128x128xf32, #tpu.memory_space<vmem>>
        %dma_wait3A_1411 = arith.constant 0 : i32
        %dma_wait3A_1412 = arith.constant 0 : i32
        %dma_wait3A_1413 = tpu.memref_slice %arg4[%dma_wait3A_1411, %dma_wait3A_1412] : memref<3276800x128xf32, #tpu.memory_space<hbm>> -> memref<128x128xf32, #tpu.memory_space<hbm>>
        %dma_wait3A_1414 = tpu.memref_slice %arg19[%dma_wait3A_1406] : memref<2x!tpu.dma_semaphore, #tpu.memory_space<semaphore_mem>> -> memref<1x!tpu.dma_semaphore, #tpu.memory_space<semaphore_mem>>
        %dma_wait3A_1415 = tpu.memref_squeeze %dma_wait3A_1414 : memref<1x!tpu.dma_semaphore, #tpu.memory_space<semaphore_mem>> -> memref<!tpu.dma_semaphore, #tpu.memory_space<semaphore_mem>>
        %dma_wait3A_1416 = arith.constant 0 : i32
        %dma_wait3A_1417 = arith.constant 0 : i32
        %dma_wait3A_1418 = tpu.memref_slice %arg4[%dma_wait3A_1416, %dma_wait3A_1417] : memref<3276800x128xf32, #tpu.memory_space<hbm>> -> memref<128x128xf32, #tpu.memory_space<hbm>>
        %dma_wait3A_1419 = arith.constant 0 : i32
        %dma_wait3A_1420 = arith.constant 0 : i32
        %dma_wait3A_1421 = tpu.memref_slice %arg15[%dma_wait3A_1405, %dma_wait3A_1419, %dma_wait3A_1420] : memref<2x256x128xf32, #tpu.memory_space<vmem>> -> memref<1x128x128xf32, #tpu.memory_space<vmem>>
        %dma_wait3A_1422 = tpu.memref_squeeze %dma_wait3A_1421 : memref<1x128x128xf32, #tpu.memory_space<vmem>> -> memref<128x128xf32, #tpu.memory_space<vmem>>
        tpu.wait_dma2 semaphore(%dma_wait3A_1415 : memref<!tpu.dma_semaphore, #tpu.memory_space<semaphore_mem>>) src(%dma_wait3A_1422 : memref<128x128xf32, #tpu.memory_space<vmem>>) dst(%dma_wait3A_1418 : memref<128x128xf32, #tpu.memory_space<hbm>>)
        %dma_wait3A_1423 = arith.constant 0 : i32
        %dma_wait3A_1424 = arith.constant 0 : i32
        %dma_wait3A_1425 = arith.constant 128 : i32
        %dma_wait3A_1426 = arith.constant 0 : i32
        %dma_wait3A_1427 = tpu.memref_slice %arg15[%dma_wait3A_1423, %dma_wait3A_1425, %dma_wait3A_1426] : memref<2x256x128xf32, #tpu.memory_space<vmem>> -> memref<1x128x128xf32, #tpu.memory_space<vmem>>
        %dma_wait3A_1428 = tpu.memref_squeeze %dma_wait3A_1427 : memref<1x128x128xf32, #tpu.memory_space<vmem>> -> memref<128x128xf32, #tpu.memory_space<vmem>>
        %dma_wait3A_1429 = arith.constant 0 : i32
        %dma_wait3A_1430 = arith.constant 0 : i32
        %dma_wait3A_1431 = tpu.memref_slice %arg4[%dma_wait3A_1429, %dma_wait3A_1430] : memref<3276800x128xf32, #tpu.memory_space<hbm>> -> memref<128x128xf32, #tpu.memory_space<hbm>>
        %dma_wait3A_1432 = tpu.memref_slice %arg19[%dma_wait3A_1424] : memref<2x!tpu.dma_semaphore, #tpu.memory_space<semaphore_mem>> -> memref<1x!tpu.dma_semaphore, #tpu.memory_space<semaphore_mem>>
        %dma_wait3A_1433 = tpu.memref_squeeze %dma_wait3A_1432 : memref<1x!tpu.dma_semaphore, #tpu.memory_space<semaphore_mem>> -> memref<!tpu.dma_semaphore, #tpu.memory_space<semaphore_mem>>
        %dma_wait3A_1434 = arith.constant 0 : i32
        %dma_wait3A_1435 = arith.constant 0 : i32
        %dma_wait3A_1436 = tpu.memref_slice %arg4[%dma_wait3A_1434, %dma_wait3A_1435] : memref<3276800x128xf32, #tpu.memory_space<hbm>> -> memref<128x128xf32, #tpu.memory_space<hbm>>
        %dma_wait3A_1437 = arith.constant 128 : i32
        %dma_wait3A_1438 = arith.constant 0 : i32
        %dma_wait3A_1439 = tpu.memref_slice %arg15[%dma_wait3A_1423, %dma_wait3A_1437, %dma_wait3A_1438] : memref<2x256x128xf32, #tpu.memory_space<vmem>> -> memref<1x128x128xf32, #tpu.memory_space<vmem>>
        %dma_wait3A_1440 = tpu.memref_squeeze %dma_wait3A_1439 : memref<1x128x128xf32, #tpu.memory_space<vmem>> -> memref<128x128xf32, #tpu.memory_space<vmem>>
        tpu.wait_dma2 semaphore(%dma_wait3A_1433 : memref<!tpu.dma_semaphore, #tpu.memory_space<semaphore_mem>>) src(%dma_wait3A_1440 : memref<128x128xf32, #tpu.memory_space<vmem>>) dst(%dma_wait3A_1436 : memref<128x128xf32, #tpu.memory_space<hbm>>)
      } else {
      }
      %dma_start3A_774 = arith.constant 0 : i32
      %dma_start3A_775 = arith.constant 0 : i32
      %dma_start3A_776 = arith.constant 0 : i32
      %dma_start3A_777 = arith.constant 0 : i32
      %dma_start3A_778 = tpu.memref_slice %arg15[%dma_start3A_774, %dma_start3A_776, %dma_start3A_777] : memref<2x256x128xf32, #tpu.memory_space<vmem>> -> memref<1x128x128xf32, #tpu.memory_space<vmem>>
      %dma_start3A_779 = tpu.memref_squeeze %dma_start3A_778 : memref<1x128x128xf32, #tpu.memory_space<vmem>> -> memref<128x128xf32, #tpu.memory_space<vmem>>
      %dma_start3A_780 = arith.constant 0 : i32
      %dma_start3A_781 = arith.constant 0 : i32
      %dma_start3A_782 = tpu.memref_slice %arg16[%dma_start3A_780, %dma_start3A_781] : memref<4320x128xf32, #tpu.memory_space<vmem_shared>> -> memref<4320x128xf32, #tpu.memory_space<vmem_shared>>
      %dma_start3A_783 = tpu.memref_slice %arg18[%dma_start3A_775] : memref<2x!tpu.dma_semaphore, #tpu.memory_space<semaphore_mem>> -> memref<1x!tpu.dma_semaphore, #tpu.memory_space<semaphore_mem>>
      %dma_start3A_784 = tpu.memref_squeeze %dma_start3A_783 : memref<1x!tpu.dma_semaphore, #tpu.memory_space<semaphore_mem>> -> memref<!tpu.dma_semaphore, #tpu.memory_space<semaphore_mem>>
      tpu.enqueue_indirect_dma source(%dma_start3A_782 : memref<4320x128xf32, #tpu.memory_space<vmem_shared>>) target(%dma_start3A_779 : memref<128x128xf32, #tpu.memory_space<vmem>>) offsets(%arg7 : memref<128xi32, #tpu.memory_space<vmem>>) semaphore(%dma_start3A_784 : memref<!tpu.dma_semaphore, #tpu.memory_space<semaphore_mem>>)
      %dma_start3A_785 = arith.constant 0 : i32
      %dma_start3A_786 = arith.constant 0 : i32
      %dma_start3A_787 = arith.constant 128 : i32
      %dma_start3A_788 = arith.constant 0 : i32
      %dma_start3A_789 = tpu.memref_slice %arg15[%dma_start3A_785, %dma_start3A_787, %dma_start3A_788] : memref<2x256x128xf32, #tpu.memory_space<vmem>> -> memref<1x128x128xf32, #tpu.memory_space<vmem>>
      %dma_start3A_790 = tpu.memref_squeeze %dma_start3A_789 : memref<1x128x128xf32, #tpu.memory_space<vmem>> -> memref<128x128xf32, #tpu.memory_space<vmem>>
      %dma_start3A_791 = arith.constant 0 : i32
      %dma_start3A_792 = arith.constant 0 : i32
      %dma_start3A_793 = tpu.memref_slice %arg16[%dma_start3A_791, %dma_start3A_792] : memref<4320x128xf32, #tpu.memory_space<vmem_shared>> -> memref<4320x128xf32, #tpu.memory_space<vmem_shared>>
      %dma_start3A_794 = tpu.memref_slice %arg18[%dma_start3A_786] : memref<2x!tpu.dma_semaphore, #tpu.memory_space<semaphore_mem>> -> memref<1x!tpu.dma_semaphore, #tpu.memory_space<semaphore_mem>>
      %dma_start3A_795 = tpu.memref_squeeze %dma_start3A_794 : memref<1x!tpu.dma_semaphore, #tpu.memory_space<semaphore_mem>> -> memref<!tpu.dma_semaphore, #tpu.memory_space<semaphore_mem>>
      tpu.enqueue_indirect_dma source(%dma_start3A_793 : memref<4320x128xf32, #tpu.memory_space<vmem_shared>>) target(%dma_start3A_790 : memref<128x128xf32, #tpu.memory_space<vmem>>) offsets(%arg8 : memref<128xi32, #tpu.memory_space<vmem>>) semaphore(%dma_start3A_795 : memref<!tpu.dma_semaphore, #tpu.memory_space<semaphore_mem>>)
      %dma_wait3A_796 = arith.constant 0 : i32
      %dma_wait3A_797 = arith.constant 0 : i32
      %dma_wait3A_798 = arith.constant 0 : i32
      %dma_wait3A_799 = arith.constant 0 : i32
      %dma_wait3A_800 = tpu.memref_slice %arg15[%dma_wait3A_796, %dma_wait3A_798, %dma_wait3A_799] : memref<2x256x128xf32, #tpu.memory_space<vmem>> -> memref<1x128x128xf32, #tpu.memory_space<vmem>>
      %dma_wait3A_801 = tpu.memref_squeeze %dma_wait3A_800 : memref<1x128x128xf32, #tpu.memory_space<vmem>> -> memref<128x128xf32, #tpu.memory_space<vmem>>
      %dma_wait3A_802 = arith.constant 0 : i32
      %dma_wait3A_803 = arith.constant 0 : i32
      %dma_wait3A_804 = tpu.memref_slice %arg16[%dma_wait3A_802, %dma_wait3A_803] : memref<4320x128xf32, #tpu.memory_space<vmem_shared>> -> memref<4320x128xf32, #tpu.memory_space<vmem_shared>>
      %dma_wait3A_805 = tpu.memref_slice %arg18[%dma_wait3A_797] : memref<2x!tpu.dma_semaphore, #tpu.memory_space<semaphore_mem>> -> memref<1x!tpu.dma_semaphore, #tpu.memory_space<semaphore_mem>>
      %dma_wait3A_806 = tpu.memref_squeeze %dma_wait3A_805 : memref<1x!tpu.dma_semaphore, #tpu.memory_space<semaphore_mem>> -> memref<!tpu.dma_semaphore, #tpu.memory_space<semaphore_mem>>
      tpu.wait_indirect_dma semaphore(%dma_wait3A_806 : memref<!tpu.dma_semaphore, #tpu.memory_space<semaphore_mem>>) src(%dma_wait3A_804 : memref<4320x128xf32, #tpu.memory_space<vmem_shared>>) dst(%dma_wait3A_801 : memref<128x128xf32, #tpu.memory_space<vmem>>)
      %dma_wait3A_807 = arith.constant 0 : i32
      %dma_wait3A_808 = arith.constant 0 : i32
      %dma_wait3A_809 = arith.constant 128 : i32
      %dma_wait3A_810 = arith.constant 0 : i32
      %dma_wait3A_811 = tpu.memref_slice %arg15[%dma_wait3A_807, %dma_wait3A_809, %dma_wait3A_810] : memref<2x256x128xf32, #tpu.memory_space<vmem>> -> memref<1x128x128xf32, #tpu.memory_space<vmem>>
      %dma_wait3A_812 = tpu.memref_squeeze %dma_wait3A_811 : memref<1x128x128xf32, #tpu.memory_space<vmem>> -> memref<128x128xf32, #tpu.memory_space<vmem>>
      %dma_wait3A_813 = arith.constant 0 : i32
      %dma_wait3A_814 = arith.constant 0 : i32
      %dma_wait3A_815 = tpu.memref_slice %arg16[%dma_wait3A_813, %dma_wait3A_814] : memref<4320x128xf32, #tpu.memory_space<vmem_shared>> -> memref<4320x128xf32, #tpu.memory_space<vmem_shared>>
      %dma_wait3A_816 = tpu.memref_slice %arg18[%dma_wait3A_808] : memref<2x!tpu.dma_semaphore, #tpu.memory_space<semaphore_mem>> -> memref<1x!tpu.dma_semaphore, #tpu.memory_space<semaphore_mem>>
      %dma_wait3A_817 = tpu.memref_squeeze %dma_wait3A_816 : memref<1x!tpu.dma_semaphore, #tpu.memory_space<semaphore_mem>> -> memref<!tpu.dma_semaphore, #tpu.memory_space<semaphore_mem>>
      tpu.wait_indirect_dma semaphore(%dma_wait3A_817 : memref<!tpu.dma_semaphore, #tpu.memory_space<semaphore_mem>>) src(%dma_wait3A_815 : memref<4320x128xf32, #tpu.memory_space<vmem_shared>>) dst(%dma_wait3A_812 : memref<128x128xf32, #tpu.memory_space<vmem>>)
      %dma_start3A_818 = arith.constant 0 : i32
      %dma_start3A_819 = arith.constant 0 : i32
      %dma_start3A_820 = arith.constant 0 : i32
      %dma_start3A_821 = arith.constant 0 : i32
      %dma_start3A_822 = tpu.memref_slice %arg15[%dma_start3A_818, %dma_start3A_820, %dma_start3A_821] : memref<2x256x128xf32, #tpu.memory_space<vmem>> -> memref<1x128x128xf32, #tpu.memory_space<vmem>>
      %dma_start3A_823 = tpu.memref_squeeze %dma_start3A_822 : memref<1x128x128xf32, #tpu.memory_space<vmem>> -> memref<128x128xf32, #tpu.memory_space<vmem>>
      %dma_start3A_824 = arith.constant 0 : i32
      %dma_start3A_825 = arith.constant 0 : i32
      %dma_start3A_826 = tpu.memref_slice %arg4[%dma_start3A_824, %dma_start3A_825] : memref<3276800x128xf32, #tpu.memory_space<hbm>> -> memref<3276800x128xf32, #tpu.memory_space<hbm>>
      %dma_start3A_827 = tpu.memref_slice %arg19[%dma_start3A_819] : memref<2x!tpu.dma_semaphore, #tpu.memory_space<semaphore_mem>> -> memref<1x!tpu.dma_semaphore, #tpu.memory_space<semaphore_mem>>
      %dma_start3A_828 = tpu.memref_squeeze %dma_start3A_827 : memref<1x!tpu.dma_semaphore, #tpu.memory_space<semaphore_mem>> -> memref<!tpu.dma_semaphore, #tpu.memory_space<semaphore_mem>>
      tpu.enqueue_indirect_dma source(%dma_start3A_823 : memref<128x128xf32, #tpu.memory_space<vmem>>) target(%dma_start3A_826 : memref<3276800x128xf32, #tpu.memory_space<hbm>>) offsets(%arg11 : memref<128xi32, #tpu.memory_space<vmem>>) semaphore(%dma_start3A_828 : memref<!tpu.dma_semaphore, #tpu.memory_space<semaphore_mem>>)
      %dma_start3A_829 = arith.constant 0 : i32
      %dma_start3A_830 = arith.constant 0 : i32
      %dma_start3A_831 = arith.constant 128 : i32
      %dma_start3A_832 = arith.constant 0 : i32
      %dma_start3A_833 = tpu.memref_slice %arg15[%dma_start3A_829, %dma_start3A_831, %dma_start3A_832] : memref<2x256x128xf32, #tpu.memory_space<vmem>> -> memref<1x128x128xf32, #tpu.memory_space<vmem>>
      %dma_start3A_834 = tpu.memref_squeeze %dma_start3A_833 : memref<1x128x128xf32, #tpu.memory_space<vmem>> -> memref<128x128xf32, #tpu.memory_space<vmem>>
      %dma_start3A_835 = arith.constant 0 : i32
      %dma_start3A_836 = arith.constant 0 : i32
      %dma_start3A_837 = tpu.memref_slice %arg4[%dma_start3A_835, %dma_start3A_836] : memref<3276800x128xf32, #tpu.memory_space<hbm>> -> memref<3276800x128xf32, #tpu.memory_space<hbm>>
      %dma_start3A_838 = tpu.memref_slice %arg19[%dma_start3A_830] : memref<2x!tpu.dma_semaphore, #tpu.memory_space<semaphore_mem>> -> memref<1x!tpu.dma_semaphore, #tpu.memory_space<semaphore_mem>>
      %dma_start3A_839 = tpu.memref_squeeze %dma_start3A_838 : memref<1x!tpu.dma_semaphore, #tpu.memory_space<semaphore_mem>> -> memref<!tpu.dma_semaphore, #tpu.memory_space<semaphore_mem>>
      tpu.enqueue_indirect_dma source(%dma_start3A_834 : memref<128x128xf32, #tpu.memory_space<vmem>>) target(%dma_start3A_837 : memref<3276800x128xf32, #tpu.memory_space<hbm>>) offsets(%arg12 : memref<128xi32, #tpu.memory_space<vmem>>) semaphore(%dma_start3A_839 : memref<!tpu.dma_semaphore, #tpu.memory_space<semaphore_mem>>)
      %mul3A_840 = arith.constant 2 : i32
      %mul3A_841 = arith.muli %mul3A_840, %scan3A_280 : i32
      %add3A_842 = arith.constant 1 : i32
      %add3A_843 = arith.addi %mul3A_841, %add3A_842 : i32
      %add3A_844 = arith.addi %mul3A_2, %add3A_843 : i32
      %jit3A_845 = arith.constant 128 : i32
      %div3A_846 = arith.divsi %add3A_844, %jit3A_845 : i32
      %sign3A_847 = arith.constant 0 : i32
      %sign3A_848 = arith.cmpi sgt, %add3A_844, %sign3A_847 : i32
      %sign3A_849 = arith.extui %sign3A_848 : i1 to i32
      %sign3A_850 = arith.constant 0 : i32
      %sign3A_851 = arith.cmpi slt, %add3A_844, %sign3A_850 : i32
      %sign3A_852 = arith.extui %sign3A_851 : i1 to i32
      %sign3A_853 = arith.subi %sign3A_849, %sign3A_852 : i32
      %sign3A_854 = arith.constant 0 : i32
      %sign3A_855 = arith.cmpi sgt, %jit3A_845, %sign3A_854 : i32
      %sign3A_856 = arith.extui %sign3A_855 : i1 to i32
      %sign3A_857 = arith.constant 0 : i32
      %sign3A_858 = arith.cmpi slt, %jit3A_845, %sign3A_857 : i32
      %sign3A_859 = arith.extui %sign3A_858 : i1 to i32
      %sign3A_860 = arith.subi %sign3A_856, %sign3A_859 : i32
      %ne3A_861 = arith.cmpi ne, %sign3A_853, %sign3A_860 : i32
      %rem3A_862 = arith.remsi %add3A_844, %jit3A_845 : i32
      %ne3A_863 = arith.constant 0 : i32
      %ne3A_864 = arith.cmpi ne, %rem3A_862, %ne3A_863 : i32
      %and3A_865 = arith.andi %ne3A_861, %ne3A_864 : i1
      %sub3A_866 = arith.constant 1 : i32
      %sub3A_867 = arith.subi %div3A_846, %sub3A_866 : i32
      %select_n3A_868 = arith.select %and3A_865, %sub3A_867, %div3A_846 : i32
      %jit3A_869 = arith.constant 128 : i32
      %eq3A_870 = arith.constant 0 : i32
      %eq3A_871 = arith.cmpi eq, %jit3A_869, %eq3A_870 : i32
      %jit3A_872 = arith.constant 1 : i32
      %select_n3A_873 = arith.select %eq3A_871, %jit3A_872, %jit3A_869 : i32
      %rem3A_874 = arith.remsi %add3A_844, %select_n3A_873 : i32
      %ne3A_875 = arith.constant 0 : i32
      %ne3A_876 = arith.cmpi ne, %rem3A_874, %ne3A_875 : i32
      %lt3A_877 = arith.constant 0 : i32
      %lt3A_878 = arith.cmpi slt, %rem3A_874, %lt3A_877 : i32
      %lt3A_879 = arith.constant 0 : i32
      %lt3A_880 = arith.cmpi slt, %select_n3A_873, %lt3A_879 : i32
      %ne3A_881 = arith.xori %lt3A_878, %lt3A_880 : i1
      %and3A_882 = arith.andi %ne3A_881, %ne3A_876 : i1
      %add3A_883 = arith.addi %rem3A_874, %select_n3A_873 : i32
      %select_n3A_884 = arith.select %and3A_882, %add3A_883, %rem3A_874 : i32
      %mul3A_885 = arith.constant 2 : i32
      %mul3A_886 = arith.muli %select_n3A_868, %mul3A_885 : i32
      %dma_wait3A_887 = arith.constant 1 : i32
      %dma_wait3A_888 = arith.constant 0 : i32
      %dma_wait3A_889 = tpu.memref_slice %arg6[%dma_wait3A_888] : memref<512xi32, #tpu.memory_space<vmem>> -> memref<256xi32, #tpu.memory_space<vmem>>
      %dma_wait3A_890 = arith.constant 0 : i32
      %dma_wait3A_891 = tpu.memref_slice %arg2[%dma_wait3A_890] : memref<6553600xi32, #tpu.memory_space<hbm>> -> memref<256xi32, #tpu.memory_space<hbm>>
      %dma_wait3A_892 = tpu.memref_slice %arg17[%dma_wait3A_887] : memref<2x!tpu.dma_semaphore, #tpu.memory_space<semaphore_mem>> -> memref<1x!tpu.dma_semaphore, #tpu.memory_space<semaphore_mem>>
      %dma_wait3A_893 = tpu.memref_squeeze %dma_wait3A_892 : memref<1x!tpu.dma_semaphore, #tpu.memory_space<semaphore_mem>> -> memref<!tpu.dma_semaphore, #tpu.memory_space<semaphore_mem>>
      %dma_wait3A_894 = arith.constant 0 : i32
      %dma_wait3A_895 = tpu.memref_slice %arg6[%dma_wait3A_894] : memref<512xi32, #tpu.memory_space<vmem>> -> memref<256xi32, #tpu.memory_space<vmem>>
      %dma_wait3A_896 = arith.constant 0 : i32
      %dma_wait3A_897 = tpu.memref_slice %arg2[%dma_wait3A_896] : memref<6553600xi32, #tpu.memory_space<hbm>> -> memref<256xi32, #tpu.memory_space<hbm>>
      tpu.wait_dma2 semaphore(%dma_wait3A_893 : memref<!tpu.dma_semaphore, #tpu.memory_space<semaphore_mem>>) src(%dma_wait3A_897 : memref<256xi32, #tpu.memory_space<hbm>>) dst(%dma_wait3A_895 : memref<256xi32, #tpu.memory_space<vmem>>)
      %dma_wait3A_898 = arith.constant 1 : i32
      %dma_wait3A_899 = arith.constant 0 : i32
      %dma_wait3A_900 = tpu.memref_slice %arg6[%dma_wait3A_899] : memref<512xi32, #tpu.memory_space<vmem>> -> memref<256xi32, #tpu.memory_space<vmem>>
      %dma_wait3A_901 = arith.constant 0 : i32
      %dma_wait3A_902 = tpu.memref_slice %arg2[%dma_wait3A_901] : memref<6553600xi32, #tpu.memory_space<hbm>> -> memref<256xi32, #tpu.memory_space<hbm>>
      %dma_wait3A_903 = tpu.memref_slice %arg17[%dma_wait3A_898] : memref<2x!tpu.dma_semaphore, #tpu.memory_space<semaphore_mem>> -> memref<1x!tpu.dma_semaphore, #tpu.memory_space<semaphore_mem>>
      %dma_wait3A_904 = tpu.memref_squeeze %dma_wait3A_903 : memref<1x!tpu.dma_semaphore, #tpu.memory_space<semaphore_mem>> -> memref<!tpu.dma_semaphore, #tpu.memory_space<semaphore_mem>>
      %dma_wait3A_905 = arith.constant 0 : i32
      %dma_wait3A_906 = tpu.memref_slice %arg6[%dma_wait3A_905] : memref<512xi32, #tpu.memory_space<vmem>> -> memref<256xi32, #tpu.memory_space<vmem>>
      %dma_wait3A_907 = arith.constant 0 : i32
      %dma_wait3A_908 = tpu.memref_slice %arg2[%dma_wait3A_907] : memref<6553600xi32, #tpu.memory_space<hbm>> -> memref<256xi32, #tpu.memory_space<hbm>>
      tpu.wait_dma2 semaphore(%dma_wait3A_904 : memref<!tpu.dma_semaphore, #tpu.memory_space<semaphore_mem>>) src(%dma_wait3A_908 : memref<256xi32, #tpu.memory_space<hbm>>) dst(%dma_wait3A_906 : memref<256xi32, #tpu.memory_space<vmem>>)
      %mul3A_909 = arith.constant 25600 : i32
      %mul3A_910 = arith.muli %select_n3A_884, %mul3A_909 : i32
      %add3A_911 = arith.addi %mul3A_910, %mul3A_886 : i32
      %get3A_912 = arith.constant 0 : index
      %get3A_913 = tpu.vector_load %arg6[%get3A_912] {strides = array<i32>} : memref<512xi32, #tpu.memory_space<vmem>>, vector<16xi32>,
      %get3A_914 = arith.constant 128 : index
      %get3A_915 = tpu.vector_load %arg6[%get3A_914] {strides = array<i32>} : memref<512xi32, #tpu.memory_space<vmem>>, vector<16xi32>,
      %mul3A_916 = arith.constant 60 : i32
      %mul3A_917 = vector.broadcast %mul3A_916 : i32 to vector<16xi32>
      %mul3A_918 = arith.muli %get3A_913, %mul3A_917 : vector<16xi32>
      %add3A_919 = arith.addi %mul3A_918, %get3A_915 : vector<16xi32>
      %swap3A_920 = arith.constant 0 : index
      %swap3A_921 = tpu.vector_load %arg9[%swap3A_920] {strides = array<i32>} : memref<128xi32, #tpu.memory_space<vmem>>, vector<16xi32>,
      tpu.vector_store %arg9[%swap3A_920], %add3A_919 {strides = array<i32>} : memref<128xi32, #tpu.memory_space<vmem>>, vector<16xi32>,
      %add3A_922 = arith.constant 0 : i32
      %add3A_923 = arith.addi %add3A_911, %add3A_922 : i32
      %add3A_924 = arith.constant 0 : i32
      %add3A_925 = arith.addi %add3A_923, %add3A_924 : i32
      %mul3A_926 = arith.constant 200 : i32
      %mul3A_927 = vector.broadcast %mul3A_926 : i32 to vector<16xi32>
      %mul3A_928 = arith.muli %mul3A_927, %iota3A : vector<16xi32>
      %add3A_929 = vector.broadcast %add3A_925 : i32 to vector<16xi32>
      %add3A_930 = arith.addi %add3A_929, %mul3A_928 : vector<16xi32>
      %swap3A_931 = arith.constant 0 : index
      %swap3A_932 = tpu.vector_load %arg13[%swap3A_931] {strides = array<i32>} : memref<128xi32, #tpu.memory_space<vmem>>, vector<16xi32>,
      tpu.vector_store %arg13[%swap3A_931], %add3A_930 {strides = array<i32>} : memref<128xi32, #tpu.memory_space<vmem>>, vector<16xi32>,
      %get3A_933 = arith.constant 16 : index
      %get3A_934 = tpu.vector_load %arg6[%get3A_933] {strides = array<i32>} : memref<512xi32, #tpu.memory_space<vmem>>, vector<16xi32>,
      %get3A_935 = arith.constant 144 : index
      %get3A_936 = tpu.vector_load %arg6[%get3A_935] {strides = array<i32>} : memref<512xi32, #tpu.memory_space<vmem>>, vector<16xi32>,
      %mul3A_937 = arith.constant 60 : i32
      %mul3A_938 = vector.broadcast %mul3A_937 : i32 to vector<16xi32>
      %mul3A_939 = arith.muli %get3A_934, %mul3A_938 : vector<16xi32>
      %add3A_940 = arith.addi %mul3A_939, %get3A_936 : vector<16xi32>
      %swap3A_941 = arith.constant 16 : index
      %swap3A_942 = tpu.vector_load %arg9[%swap3A_941] {strides = array<i32>} : memref<128xi32, #tpu.memory_space<vmem>>, vector<16xi32>,
      tpu.vector_store %arg9[%swap3A_941], %add3A_940 {strides = array<i32>} : memref<128xi32, #tpu.memory_space<vmem>>, vector<16xi32>,
      %add3A_943 = arith.constant 0 : i32
      %add3A_944 = arith.addi %add3A_911, %add3A_943 : i32
      %add3A_945 = arith.constant 3200 : i32
      %add3A_946 = arith.addi %add3A_944, %add3A_945 : i32
      %mul3A_947 = arith.constant 200 : i32
      %mul3A_948 = vector.broadcast %mul3A_947 : i32 to vector<16xi32>
      %mul3A_949 = arith.muli %mul3A_948, %iota3A : vector<16xi32>
      %add3A_950 = vector.broadcast %add3A_946 : i32 to vector<16xi32>
      %add3A_951 = arith.addi %add3A_950, %mul3A_949 : vector<16xi32>
      %swap3A_952 = arith.constant 16 : index
      %swap3A_953 = tpu.vector_load %arg13[%swap3A_952] {strides = array<i32>} : memref<128xi32, #tpu.memory_space<vmem>>, vector<16xi32>,
      tpu.vector_store %arg13[%swap3A_952], %add3A_951 {strides = array<i32>} : memref<128xi32, #tpu.memory_space<vmem>>, vector<16xi32>,
      %get3A_954 = arith.constant 32 : index
      %get3A_955 = tpu.vector_load %arg6[%get3A_954] {strides = array<i32>} : memref<512xi32, #tpu.memory_space<vmem>>, vector<16xi32>,
      %get3A_956 = arith.constant 160 : index
      %get3A_957 = tpu.vector_load %arg6[%get3A_956] {strides = array<i32>} : memref<512xi32, #tpu.memory_space<vmem>>, vector<16xi32>,
      %mul3A_958 = arith.constant 60 : i32
      %mul3A_959 = vector.broadcast %mul3A_958 : i32 to vector<16xi32>
      %mul3A_960 = arith.muli %get3A_955, %mul3A_959 : vector<16xi32>
      %add3A_961 = arith.addi %mul3A_960, %get3A_957 : vector<16xi32>
      %swap3A_962 = arith.constant 32 : index
      %swap3A_963 = tpu.vector_load %arg9[%swap3A_962] {strides = array<i32>} : memref<128xi32, #tpu.memory_space<vmem>>, vector<16xi32>,
      tpu.vector_store %arg9[%swap3A_962], %add3A_961 {strides = array<i32>} : memref<128xi32, #tpu.memory_space<vmem>>, vector<16xi32>,
      %add3A_964 = arith.constant 0 : i32
      %add3A_965 = arith.addi %add3A_911, %add3A_964 : i32
      %add3A_966 = arith.constant 6400 : i32
      %add3A_967 = arith.addi %add3A_965, %add3A_966 : i32
      %mul3A_968 = arith.constant 200 : i32
      %mul3A_969 = vector.broadcast %mul3A_968 : i32 to vector<16xi32>
      %mul3A_970 = arith.muli %mul3A_969, %iota3A : vector<16xi32>
      %add3A_971 = vector.broadcast %add3A_967 : i32 to vector<16xi32>
      %add3A_972 = arith.addi %add3A_971, %mul3A_970 : vector<16xi32>
      %swap3A_973 = arith.constant 32 : index
      %swap3A_974 = tpu.vector_load %arg13[%swap3A_973] {strides = array<i32>} : memref<128xi32, #tpu.memory_space<vmem>>, vector<16xi32>,
      tpu.vector_store %arg13[%swap3A_973], %add3A_972 {strides = array<i32>} : memref<128xi32, #tpu.memory_space<vmem>>, vector<16xi32>,
      %get3A_975 = arith.constant 48 : index
      %get3A_976 = tpu.vector_load %arg6[%get3A_975] {strides = array<i32>} : memref<512xi32, #tpu.memory_space<vmem>>, vector<16xi32>,
      %get3A_977 = arith.constant 176 : index
      %get3A_978 = tpu.vector_load %arg6[%get3A_977] {strides = array<i32>} : memref<512xi32, #tpu.memory_space<vmem>>, vector<16xi32>,
      %mul3A_979 = arith.constant 60 : i32
      %mul3A_980 = vector.broadcast %mul3A_979 : i32 to vector<16xi32>
      %mul3A_981 = arith.muli %get3A_976, %mul3A_980 : vector<16xi32>
      %add3A_982 = arith.addi %mul3A_981, %get3A_978 : vector<16xi32>
      %swap3A_983 = arith.constant 48 : index
      %swap3A_984 = tpu.vector_load %arg9[%swap3A_983] {strides = array<i32>} : memref<128xi32, #tpu.memory_space<vmem>>, vector<16xi32>,
      tpu.vector_store %arg9[%swap3A_983], %add3A_982 {strides = array<i32>} : memref<128xi32, #tpu.memory_space<vmem>>, vector<16xi32>,
      %add3A_985 = arith.constant 0 : i32
      %add3A_986 = arith.addi %add3A_911, %add3A_985 : i32
      %add3A_987 = arith.constant 9600 : i32
      %add3A_988 = arith.addi %add3A_986, %add3A_987 : i32
      %mul3A_989 = arith.constant 200 : i32
      %mul3A_990 = vector.broadcast %mul3A_989 : i32 to vector<16xi32>
      %mul3A_991 = arith.muli %mul3A_990, %iota3A : vector<16xi32>
      %add3A_992 = vector.broadcast %add3A_988 : i32 to vector<16xi32>
      %add3A_993 = arith.addi %add3A_992, %mul3A_991 : vector<16xi32>
      %swap3A_994 = arith.constant 48 : index
      %swap3A_995 = tpu.vector_load %arg13[%swap3A_994] {strides = array<i32>} : memref<128xi32, #tpu.memory_space<vmem>>, vector<16xi32>,
      tpu.vector_store %arg13[%swap3A_994], %add3A_993 {strides = array<i32>} : memref<128xi32, #tpu.memory_space<vmem>>, vector<16xi32>,
      %get3A_996 = arith.constant 64 : index
      %get3A_997 = tpu.vector_load %arg6[%get3A_996] {strides = array<i32>} : memref<512xi32, #tpu.memory_space<vmem>>, vector<16xi32>,
      %get3A_998 = arith.constant 192 : index
      %get3A_999 = tpu.vector_load %arg6[%get3A_998] {strides = array<i32>} : memref<512xi32, #tpu.memory_space<vmem>>, vector<16xi32>,
      %mul3A_1000 = arith.constant 60 : i32
      %mul3A_1001 = vector.broadcast %mul3A_1000 : i32 to vector<16xi32>
      %mul3A_1002 = arith.muli %get3A_997, %mul3A_1001 : vector<16xi32>
      %add3A_1003 = arith.addi %mul3A_1002, %get3A_999 : vector<16xi32>
      %swap3A_1004 = arith.constant 64 : index
      %swap3A_1005 = tpu.vector_load %arg9[%swap3A_1004] {strides = array<i32>} : memref<128xi32, #tpu.memory_space<vmem>>, vector<16xi32>,
      tpu.vector_store %arg9[%swap3A_1004], %add3A_1003 {strides = array<i32>} : memref<128xi32, #tpu.memory_space<vmem>>, vector<16xi32>,
      %add3A_1006 = arith.constant 0 : i32
      %add3A_1007 = arith.addi %add3A_911, %add3A_1006 : i32
      %add3A_1008 = arith.constant 12800 : i32
      %add3A_1009 = arith.addi %add3A_1007, %add3A_1008 : i32
      %mul3A_1010 = arith.constant 200 : i32
      %mul3A_1011 = vector.broadcast %mul3A_1010 : i32 to vector<16xi32>
      %mul3A_1012 = arith.muli %mul3A_1011, %iota3A : vector<16xi32>
      %add3A_1013 = vector.broadcast %add3A_1009 : i32 to vector<16xi32>
      %add3A_1014 = arith.addi %add3A_1013, %mul3A_1012 : vector<16xi32>
      %swap3A_1015 = arith.constant 64 : index
      %swap3A_1016 = tpu.vector_load %arg13[%swap3A_1015] {strides = array<i32>} : memref<128xi32, #tpu.memory_space<vmem>>, vector<16xi32>,
      tpu.vector_store %arg13[%swap3A_1015], %add3A_1014 {strides = array<i32>} : memref<128xi32, #tpu.memory_space<vmem>>, vector<16xi32>,
      %get3A_1017 = arith.constant 80 : index
      %get3A_1018 = tpu.vector_load %arg6[%get3A_1017] {strides = array<i32>} : memref<512xi32, #tpu.memory_space<vmem>>, vector<16xi32>,
      %get3A_1019 = arith.constant 208 : index
      %get3A_1020 = tpu.vector_load %arg6[%get3A_1019] {strides = array<i32>} : memref<512xi32, #tpu.memory_space<vmem>>, vector<16xi32>,
      %mul3A_1021 = arith.constant 60 : i32
      %mul3A_1022 = vector.broadcast %mul3A_1021 : i32 to vector<16xi32>
      %mul3A_1023 = arith.muli %get3A_1018, %mul3A_1022 : vector<16xi32>
      %add3A_1024 = arith.addi %mul3A_1023, %get3A_1020 : vector<16xi32>
      %swap3A_1025 = arith.constant 80 : index
      %swap3A_1026 = tpu.vector_load %arg9[%swap3A_1025] {strides = array<i32>} : memref<128xi32, #tpu.memory_space<vmem>>, vector<16xi32>,
      tpu.vector_store %arg9[%swap3A_1025], %add3A_1024 {strides = array<i32>} : memref<128xi32, #tpu.memory_space<vmem>>, vector<16xi32>,
      %add3A_1027 = arith.constant 0 : i32
      %add3A_1028 = arith.addi %add3A_911, %add3A_1027 : i32
      %add3A_1029 = arith.constant 16000 : i32
      %add3A_1030 = arith.addi %add3A_1028, %add3A_1029 : i32
      %mul3A_1031 = arith.constant 200 : i32
      %mul3A_1032 = vector.broadcast %mul3A_1031 : i32 to vector<16xi32>
      %mul3A_1033 = arith.muli %mul3A_1032, %iota3A : vector<16xi32>
      %add3A_1034 = vector.broadcast %add3A_1030 : i32 to vector<16xi32>
      %add3A_1035 = arith.addi %add3A_1034, %mul3A_1033 : vector<16xi32>
      %swap3A_1036 = arith.constant 80 : index
      %swap3A_1037 = tpu.vector_load %arg13[%swap3A_1036] {strides = array<i32>} : memref<128xi32, #tpu.memory_space<vmem>>, vector<16xi32>,
      tpu.vector_store %arg13[%swap3A_1036], %add3A_1035 {strides = array<i32>} : memref<128xi32, #tpu.memory_space<vmem>>, vector<16xi32>,
      %get3A_1038 = arith.constant 96 : index
      %get3A_1039 = tpu.vector_load %arg6[%get3A_1038] {strides = array<i32>} : memref<512xi32, #tpu.memory_space<vmem>>, vector<16xi32>,
      %get3A_1040 = arith.constant 224 : index
      %get3A_1041 = tpu.vector_load %arg6[%get3A_1040] {strides = array<i32>} : memref<512xi32, #tpu.memory_space<vmem>>, vector<16xi32>,
      %mul3A_1042 = arith.constant 60 : i32
      %mul3A_1043 = vector.broadcast %mul3A_1042 : i32 to vector<16xi32>
      %mul3A_1044 = arith.muli %get3A_1039, %mul3A_1043 : vector<16xi32>
      %add3A_1045 = arith.addi %mul3A_1044, %get3A_1041 : vector<16xi32>
      %swap3A_1046 = arith.constant 96 : index
      %swap3A_1047 = tpu.vector_load %arg9[%swap3A_1046] {strides = array<i32>} : memref<128xi32, #tpu.memory_space<vmem>>, vector<16xi32>,
      tpu.vector_store %arg9[%swap3A_1046], %add3A_1045 {strides = array<i32>} : memref<128xi32, #tpu.memory_space<vmem>>, vector<16xi32>,
      %add3A_1048 = arith.constant 0 : i32
      %add3A_1049 = arith.addi %add3A_911, %add3A_1048 : i32
      %add3A_1050 = arith.constant 19200 : i32
      %add3A_1051 = arith.addi %add3A_1049, %add3A_1050 : i32
      %mul3A_1052 = arith.constant 200 : i32
      %mul3A_1053 = vector.broadcast %mul3A_1052 : i32 to vector<16xi32>
      %mul3A_1054 = arith.muli %mul3A_1053, %iota3A : vector<16xi32>
      %add3A_1055 = vector.broadcast %add3A_1051 : i32 to vector<16xi32>
      %add3A_1056 = arith.addi %add3A_1055, %mul3A_1054 : vector<16xi32>
      %swap3A_1057 = arith.constant 96 : index
      %swap3A_1058 = tpu.vector_load %arg13[%swap3A_1057] {strides = array<i32>} : memref<128xi32, #tpu.memory_space<vmem>>, vector<16xi32>,
      tpu.vector_store %arg13[%swap3A_1057], %add3A_1056 {strides = array<i32>} : memref<128xi32, #tpu.memory_space<vmem>>, vector<16xi32>,
      %get3A_1059 = arith.constant 112 : index
      %get3A_1060 = tpu.vector_load %arg6[%get3A_1059] {strides = array<i32>} : memref<512xi32, #tpu.memory_space<vmem>>, vector<16xi32>,
      %get3A_1061 = arith.constant 240 : index
      %get3A_1062 = tpu.vector_load %arg6[%get3A_1061] {strides = array<i32>} : memref<512xi32, #tpu.memory_space<vmem>>, vector<16xi32>,
      %mul3A_1063 = arith.constant 60 : i32
      %mul3A_1064 = vector.broadcast %mul3A_1063 : i32 to vector<16xi32>
      %mul3A_1065 = arith.muli %get3A_1060, %mul3A_1064 : vector<16xi32>
      %add3A_1066 = arith.addi %mul3A_1065, %get3A_1062 : vector<16xi32>
      %swap3A_1067 = arith.constant 112 : index
      %swap3A_1068 = tpu.vector_load %arg9[%swap3A_1067] {strides = array<i32>} : memref<128xi32, #tpu.memory_space<vmem>>, vector<16xi32>,
      tpu.vector_store %arg9[%swap3A_1067], %add3A_1066 {strides = array<i32>} : memref<128xi32, #tpu.memory_space<vmem>>, vector<16xi32>,
      %add3A_1069 = arith.constant 0 : i32
      %add3A_1070 = arith.addi %add3A_911, %add3A_1069 : i32
      %add3A_1071 = arith.constant 22400 : i32
      %add3A_1072 = arith.addi %add3A_1070, %add3A_1071 : i32
      %mul3A_1073 = arith.constant 200 : i32
      %mul3A_1074 = vector.broadcast %mul3A_1073 : i32 to vector<16xi32>
      %mul3A_1075 = arith.muli %mul3A_1074, %iota3A : vector<16xi32>
      %add3A_1076 = vector.broadcast %add3A_1072 : i32 to vector<16xi32>
      %add3A_1077 = arith.addi %add3A_1076, %mul3A_1075 : vector<16xi32>
      %swap3A_1078 = arith.constant 112 : index
      %swap3A_1079 = tpu.vector_load %arg13[%swap3A_1078] {strides = array<i32>} : memref<128xi32, #tpu.memory_space<vmem>>, vector<16xi32>,
      tpu.vector_store %arg13[%swap3A_1078], %add3A_1077 {strides = array<i32>} : memref<128xi32, #tpu.memory_space<vmem>>, vector<16xi32>,
      %get3A_1080 = arith.constant 256 : index
      %get3A_1081 = tpu.vector_load %arg6[%get3A_1080] {strides = array<i32>} : memref<512xi32, #tpu.memory_space<vmem>>, vector<16xi32>,
      %get3A_1082 = arith.constant 384 : index
      %get3A_1083 = tpu.vector_load %arg6[%get3A_1082] {strides = array<i32>} : memref<512xi32, #tpu.memory_space<vmem>>, vector<16xi32>,
      %mul3A_1084 = arith.constant 60 : i32
      %mul3A_1085 = vector.broadcast %mul3A_1084 : i32 to vector<16xi32>
      %mul3A_1086 = arith.muli %get3A_1081, %mul3A_1085 : vector<16xi32>
      %add3A_1087 = arith.addi %mul3A_1086, %get3A_1083 : vector<16xi32>
      %swap3A_1088 = arith.constant 0 : index
      %swap3A_1089 = tpu.vector_load %arg10[%swap3A_1088] {strides = array<i32>} : memref<128xi32, #tpu.memory_space<vmem>>, vector<16xi32>,
      tpu.vector_store %arg10[%swap3A_1088], %add3A_1087 {strides = array<i32>} : memref<128xi32, #tpu.memory_space<vmem>>, vector<16xi32>,
      %add3A_1090 = arith.constant 1 : i32
      %add3A_1091 = arith.addi %add3A_911, %add3A_1090 : i32
      %add3A_1092 = arith.constant 0 : i32
      %add3A_1093 = arith.addi %add3A_1091, %add3A_1092 : i32
      %mul3A_1094 = arith.constant 200 : i32
      %mul3A_1095 = vector.broadcast %mul3A_1094 : i32 to vector<16xi32>
      %mul3A_1096 = arith.muli %mul3A_1095, %iota3A : vector<16xi32>
      %add3A_1097 = vector.broadcast %add3A_1093 : i32 to vector<16xi32>
      %add3A_1098 = arith.addi %add3A_1097, %mul3A_1096 : vector<16xi32>
      %swap3A_1099 = arith.constant 0 : index
      %swap3A_1100 = tpu.vector_load %arg14[%swap3A_1099] {strides = array<i32>} : memref<128xi32, #tpu.memory_space<vmem>>, vector<16xi32>,
      tpu.vector_store %arg14[%swap3A_1099], %add3A_1098 {strides = array<i32>} : memref<128xi32, #tpu.memory_space<vmem>>, vector<16xi32>,
      %get3A_1101 = arith.constant 272 : index
      %get3A_1102 = tpu.vector_load %arg6[%get3A_1101] {strides = array<i32>} : memref<512xi32, #tpu.memory_space<vmem>>, vector<16xi32>,
      %get3A_1103 = arith.constant 400 : index
      %get3A_1104 = tpu.vector_load %arg6[%get3A_1103] {strides = array<i32>} : memref<512xi32, #tpu.memory_space<vmem>>, vector<16xi32>,
      %mul3A_1105 = arith.constant 60 : i32
      %mul3A_1106 = vector.broadcast %mul3A_1105 : i32 to vector<16xi32>
      %mul3A_1107 = arith.muli %get3A_1102, %mul3A_1106 : vector<16xi32>
      %add3A_1108 = arith.addi %mul3A_1107, %get3A_1104 : vector<16xi32>
      %swap3A_1109 = arith.constant 16 : index
      %swap3A_1110 = tpu.vector_load %arg10[%swap3A_1109] {strides = array<i32>} : memref<128xi32, #tpu.memory_space<vmem>>, vector<16xi32>,
      tpu.vector_store %arg10[%swap3A_1109], %add3A_1108 {strides = array<i32>} : memref<128xi32, #tpu.memory_space<vmem>>, vector<16xi32>,
      %add3A_1111 = arith.constant 1 : i32
      %add3A_1112 = arith.addi %add3A_911, %add3A_1111 : i32
      %add3A_1113 = arith.constant 3200 : i32
      %add3A_1114 = arith.addi %add3A_1112, %add3A_1113 : i32
      %mul3A_1115 = arith.constant 200 : i32
      %mul3A_1116 = vector.broadcast %mul3A_1115 : i32 to vector<16xi32>
      %mul3A_1117 = arith.muli %mul3A_1116, %iota3A : vector<16xi32>
      %add3A_1118 = vector.broadcast %add3A_1114 : i32 to vector<16xi32>
      %add3A_1119 = arith.addi %add3A_1118, %mul3A_1117 : vector<16xi32>
      %swap3A_1120 = arith.constant 16 : index
      %swap3A_1121 = tpu.vector_load %arg14[%swap3A_1120] {strides = array<i32>} : memref<128xi32, #tpu.memory_space<vmem>>, vector<16xi32>,
      tpu.vector_store %arg14[%swap3A_1120], %add3A_1119 {strides = array<i32>} : memref<128xi32, #tpu.memory_space<vmem>>, vector<16xi32>,
      %get3A_1122 = arith.constant 288 : index
      %get3A_1123 = tpu.vector_load %arg6[%get3A_1122] {strides = array<i32>} : memref<512xi32, #tpu.memory_space<vmem>>, vector<16xi32>,
      %get3A_1124 = arith.constant 416 : index
      %get3A_1125 = tpu.vector_load %arg6[%get3A_1124] {strides = array<i32>} : memref<512xi32, #tpu.memory_space<vmem>>, vector<16xi32>,
      %mul3A_1126 = arith.constant 60 : i32
      %mul3A_1127 = vector.broadcast %mul3A_1126 : i32 to vector<16xi32>
      %mul3A_1128 = arith.muli %get3A_1123, %mul3A_1127 : vector<16xi32>
      %add3A_1129 = arith.addi %mul3A_1128, %get3A_1125 : vector<16xi32>
      %swap3A_1130 = arith.constant 32 : index
      %swap3A_1131 = tpu.vector_load %arg10[%swap3A_1130] {strides = array<i32>} : memref<128xi32, #tpu.memory_space<vmem>>, vector<16xi32>,
      tpu.vector_store %arg10[%swap3A_1130], %add3A_1129 {strides = array<i32>} : memref<128xi32, #tpu.memory_space<vmem>>, vector<16xi32>,
      %add3A_1132 = arith.constant 1 : i32
      %add3A_1133 = arith.addi %add3A_911, %add3A_1132 : i32
      %add3A_1134 = arith.constant 6400 : i32
      %add3A_1135 = arith.addi %add3A_1133, %add3A_1134 : i32
      %mul3A_1136 = arith.constant 200 : i32
      %mul3A_1137 = vector.broadcast %mul3A_1136 : i32 to vector<16xi32>
      %mul3A_1138 = arith.muli %mul3A_1137, %iota3A : vector<16xi32>
      %add3A_1139 = vector.broadcast %add3A_1135 : i32 to vector<16xi32>
      %add3A_1140 = arith.addi %add3A_1139, %mul3A_1138 : vector<16xi32>
      %swap3A_1141 = arith.constant 32 : index
      %swap3A_1142 = tpu.vector_load %arg14[%swap3A_1141] {strides = array<i32>} : memref<128xi32, #tpu.memory_space<vmem>>, vector<16xi32>,
      tpu.vector_store %arg14[%swap3A_1141], %add3A_1140 {strides = array<i32>} : memref<128xi32, #tpu.memory_space<vmem>>, vector<16xi32>,
      %get3A_1143 = arith.constant 304 : index
      %get3A_1144 = tpu.vector_load %arg6[%get3A_1143] {strides = array<i32>} : memref<512xi32, #tpu.memory_space<vmem>>, vector<16xi32>,
      %get3A_1145 = arith.constant 432 : index
      %get3A_1146 = tpu.vector_load %arg6[%get3A_1145] {strides = array<i32>} : memref<512xi32, #tpu.memory_space<vmem>>, vector<16xi32>,
      %mul3A_1147 = arith.constant 60 : i32
      %mul3A_1148 = vector.broadcast %mul3A_1147 : i32 to vector<16xi32>
      %mul3A_1149 = arith.muli %get3A_1144, %mul3A_1148 : vector<16xi32>
      %add3A_1150 = arith.addi %mul3A_1149, %get3A_1146 : vector<16xi32>
      %swap3A_1151 = arith.constant 48 : index
      %swap3A_1152 = tpu.vector_load %arg10[%swap3A_1151] {strides = array<i32>} : memref<128xi32, #tpu.memory_space<vmem>>, vector<16xi32>,
      tpu.vector_store %arg10[%swap3A_1151], %add3A_1150 {strides = array<i32>} : memref<128xi32, #tpu.memory_space<vmem>>, vector<16xi32>,
      %add3A_1153 = arith.constant 1 : i32
      %add3A_1154 = arith.addi %add3A_911, %add3A_1153 : i32
      %add3A_1155 = arith.constant 9600 : i32
      %add3A_1156 = arith.addi %add3A_1154, %add3A_1155 : i32
      %mul3A_1157 = arith.constant 200 : i32
      %mul3A_1158 = vector.broadcast %mul3A_1157 : i32 to vector<16xi32>
      %mul3A_1159 = arith.muli %mul3A_1158, %iota3A : vector<16xi32>
      %add3A_1160 = vector.broadcast %add3A_1156 : i32 to vector<16xi32>
      %add3A_1161 = arith.addi %add3A_1160, %mul3A_1159 : vector<16xi32>
      %swap3A_1162 = arith.constant 48 : index
      %swap3A_1163 = tpu.vector_load %arg14[%swap3A_1162] {strides = array<i32>} : memref<128xi32, #tpu.memory_space<vmem>>, vector<16xi32>,
      tpu.vector_store %arg14[%swap3A_1162], %add3A_1161 {strides = array<i32>} : memref<128xi32, #tpu.memory_space<vmem>>, vector<16xi32>,
      %get3A_1164 = arith.constant 320 : index
      %get3A_1165 = tpu.vector_load %arg6[%get3A_1164] {strides = array<i32>} : memref<512xi32, #tpu.memory_space<vmem>>, vector<16xi32>,
      %get3A_1166 = arith.constant 448 : index
      %get3A_1167 = tpu.vector_load %arg6[%get3A_1166] {strides = array<i32>} : memref<512xi32, #tpu.memory_space<vmem>>, vector<16xi32>,
      %mul3A_1168 = arith.constant 60 : i32
      %mul3A_1169 = vector.broadcast %mul3A_1168 : i32 to vector<16xi32>
      %mul3A_1170 = arith.muli %get3A_1165, %mul3A_1169 : vector<16xi32>
      %add3A_1171 = arith.addi %mul3A_1170, %get3A_1167 : vector<16xi32>
      %swap3A_1172 = arith.constant 64 : index
      %swap3A_1173 = tpu.vector_load %arg10[%swap3A_1172] {strides = array<i32>} : memref<128xi32, #tpu.memory_space<vmem>>, vector<16xi32>,
      tpu.vector_store %arg10[%swap3A_1172], %add3A_1171 {strides = array<i32>} : memref<128xi32, #tpu.memory_space<vmem>>, vector<16xi32>,
      %add3A_1174 = arith.constant 1 : i32
      %add3A_1175 = arith.addi %add3A_911, %add3A_1174 : i32
      %add3A_1176 = arith.constant 12800 : i32
      %add3A_1177 = arith.addi %add3A_1175, %add3A_1176 : i32
      %mul3A_1178 = arith.constant 200 : i32
      %mul3A_1179 = vector.broadcast %mul3A_1178 : i32 to vector<16xi32>
      %mul3A_1180 = arith.muli %mul3A_1179, %iota3A : vector<16xi32>
      %add3A_1181 = vector.broadcast %add3A_1177 : i32 to vector<16xi32>
      %add3A_1182 = arith.addi %add3A_1181, %mul3A_1180 : vector<16xi32>
      %swap3A_1183 = arith.constant 64 : index
      %swap3A_1184 = tpu.vector_load %arg14[%swap3A_1183] {strides = array<i32>} : memref<128xi32, #tpu.memory_space<vmem>>, vector<16xi32>,
      tpu.vector_store %arg14[%swap3A_1183], %add3A_1182 {strides = array<i32>} : memref<128xi32, #tpu.memory_space<vmem>>, vector<16xi32>,
      %get3A_1185 = arith.constant 336 : index
      %get3A_1186 = tpu.vector_load %arg6[%get3A_1185] {strides = array<i32>} : memref<512xi32, #tpu.memory_space<vmem>>, vector<16xi32>,
      %get3A_1187 = arith.constant 464 : index
      %get3A_1188 = tpu.vector_load %arg6[%get3A_1187] {strides = array<i32>} : memref<512xi32, #tpu.memory_space<vmem>>, vector<16xi32>,
      %mul3A_1189 = arith.constant 60 : i32
      %mul3A_1190 = vector.broadcast %mul3A_1189 : i32 to vector<16xi32>
      %mul3A_1191 = arith.muli %get3A_1186, %mul3A_1190 : vector<16xi32>
      %add3A_1192 = arith.addi %mul3A_1191, %get3A_1188 : vector<16xi32>
      %swap3A_1193 = arith.constant 80 : index
      %swap3A_1194 = tpu.vector_load %arg10[%swap3A_1193] {strides = array<i32>} : memref<128xi32, #tpu.memory_space<vmem>>, vector<16xi32>,
      tpu.vector_store %arg10[%swap3A_1193], %add3A_1192 {strides = array<i32>} : memref<128xi32, #tpu.memory_space<vmem>>, vector<16xi32>,
      %add3A_1195 = arith.constant 1 : i32
      %add3A_1196 = arith.addi %add3A_911, %add3A_1195 : i32
      %add3A_1197 = arith.constant 16000 : i32
      %add3A_1198 = arith.addi %add3A_1196, %add3A_1197 : i32
      %mul3A_1199 = arith.constant 200 : i32
      %mul3A_1200 = vector.broadcast %mul3A_1199 : i32 to vector<16xi32>
      %mul3A_1201 = arith.muli %mul3A_1200, %iota3A : vector<16xi32>
      %add3A_1202 = vector.broadcast %add3A_1198 : i32 to vector<16xi32>
      %add3A_1203 = arith.addi %add3A_1202, %mul3A_1201 : vector<16xi32>
      %swap3A_1204 = arith.constant 80 : index
      %swap3A_1205 = tpu.vector_load %arg14[%swap3A_1204] {strides = array<i32>} : memref<128xi32, #tpu.memory_space<vmem>>, vector<16xi32>,
      tpu.vector_store %arg14[%swap3A_1204], %add3A_1203 {strides = array<i32>} : memref<128xi32, #tpu.memory_space<vmem>>, vector<16xi32>,
      %get3A_1206 = arith.constant 352 : index
      %get3A_1207 = tpu.vector_load %arg6[%get3A_1206] {strides = array<i32>} : memref<512xi32, #tpu.memory_space<vmem>>, vector<16xi32>,
      %get3A_1208 = arith.constant 480 : index
      %get3A_1209 = tpu.vector_load %arg6[%get3A_1208] {strides = array<i32>} : memref<512xi32, #tpu.memory_space<vmem>>, vector<16xi32>,
      %mul3A_1210 = arith.constant 60 : i32
      %mul3A_1211 = vector.broadcast %mul3A_1210 : i32 to vector<16xi32>
      %mul3A_1212 = arith.muli %get3A_1207, %mul3A_1211 : vector<16xi32>
      %add3A_1213 = arith.addi %mul3A_1212, %get3A_1209 : vector<16xi32>
      %swap3A_1214 = arith.constant 96 : index
      %swap3A_1215 = tpu.vector_load %arg10[%swap3A_1214] {strides = array<i32>} : memref<128xi32, #tpu.memory_space<vmem>>, vector<16xi32>,
      tpu.vector_store %arg10[%swap3A_1214], %add3A_1213 {strides = array<i32>} : memref<128xi32, #tpu.memory_space<vmem>>, vector<16xi32>,
      %add3A_1216 = arith.constant 1 : i32
      %add3A_1217 = arith.addi %add3A_911, %add3A_1216 : i32
      %add3A_1218 = arith.constant 19200 : i32
      %add3A_1219 = arith.addi %add3A_1217, %add3A_1218 : i32
      %mul3A_1220 = arith.constant 200 : i32
      %mul3A_1221 = vector.broadcast %mul3A_1220 : i32 to vector<16xi32>
      %mul3A_1222 = arith.muli %mul3A_1221, %iota3A : vector<16xi32>
      %add3A_1223 = vector.broadcast %add3A_1219 : i32 to vector<16xi32>
      %add3A_1224 = arith.addi %add3A_1223, %mul3A_1222 : vector<16xi32>
      %swap3A_1225 = arith.constant 96 : index
      %swap3A_1226 = tpu.vector_load %arg14[%swap3A_1225] {strides = array<i32>} : memref<128xi32, #tpu.memory_space<vmem>>, vector<16xi32>,
      tpu.vector_store %arg14[%swap3A_1225], %add3A_1224 {strides = array<i32>} : memref<128xi32, #tpu.memory_space<vmem>>, vector<16xi32>,
      %get3A_1227 = arith.constant 368 : index
      %get3A_1228 = tpu.vector_load %arg6[%get3A_1227] {strides = array<i32>} : memref<512xi32, #tpu.memory_space<vmem>>, vector<16xi32>,
      %get3A_1229 = arith.constant 496 : index
      %get3A_1230 = tpu.vector_load %arg6[%get3A_1229] {strides = array<i32>} : memref<512xi32, #tpu.memory_space<vmem>>, vector<16xi32>,
      %mul3A_1231 = arith.constant 60 : i32
      %mul3A_1232 = vector.broadcast %mul3A_1231 : i32 to vector<16xi32>
      %mul3A_1233 = arith.muli %get3A_1228, %mul3A_1232 : vector<16xi32>
      %add3A_1234 = arith.addi %mul3A_1233, %get3A_1230 : vector<16xi32>
      %swap3A_1235 = arith.constant 112 : index
      %swap3A_1236 = tpu.vector_load %arg10[%swap3A_1235] {strides = array<i32>} : memref<128xi32, #tpu.memory_space<vmem>>, vector<16xi32>,
      tpu.vector_store %arg10[%swap3A_1235], %add3A_1234 {strides = array<i32>} : memref<128xi32, #tpu.memory_space<vmem>>, vector<16xi32>,
      %add3A_1237 = arith.constant 1 : i32
      %add3A_1238 = arith.addi %add3A_911, %add3A_1237 : i32
      %add3A_1239 = arith.constant 22400 : i32
      %add3A_1240 = arith.addi %add3A_1238, %add3A_1239 : i32
      %mul3A_1241 = arith.constant 200 : i32
      %mul3A_1242 = vector.broadcast %mul3A_1241 : i32 to vector<16xi32>
      %mul3A_1243 = arith.muli %mul3A_1242, %iota3A : vector<16xi32>
      %add3A_1244 = vector.broadcast %add3A_1240 : i32 to vector<16xi32>
      %add3A_1245 = arith.addi %add3A_1244, %mul3A_1243 : vector<16xi32>
      %swap3A_1246 = arith.constant 112 : index
      %swap3A_1247 = tpu.vector_load %arg14[%swap3A_1246] {strides = array<i32>} : memref<128xi32, #tpu.memory_space<vmem>>, vector<16xi32>,
      tpu.vector_store %arg14[%swap3A_1246], %add3A_1245 {strides = array<i32>} : memref<128xi32, #tpu.memory_space<vmem>>, vector<16xi32>,
      %add3A_1248 = arith.constant 2 : i32
      %add3A_1249 = arith.addi %add3A_843, %add3A_1248 : i32
      %min3A_1250 = arith.constant 399 : i32
      %min3A_1251 = arith.minsi %add3A_1249, %min3A_1250 : i32
      %add3A_1252 = arith.addi %mul3A_2, %min3A_1251 : i32
      %jit3A_1253 = arith.constant 128 : i32
      %div3A_1254 = arith.divsi %add3A_1252, %jit3A_1253 : i32
      %sign3A_1255 = arith.constant 0 : i32
      %sign3A_1256 = arith.cmpi sgt, %add3A_1252, %sign3A_1255 : i32
      %sign3A_1257 = arith.extui %sign3A_1256 : i1 to i32
      %sign3A_1258 = arith.constant 0 : i32
      %sign3A_1259 = arith.cmpi slt, %add3A_1252, %sign3A_1258 : i32
      %sign3A_1260 = arith.extui %sign3A_1259 : i1 to i32
      %sign3A_1261 = arith.subi %sign3A_1257, %sign3A_1260 : i32
      %sign3A_1262 = arith.constant 0 : i32
      %sign3A_1263 = arith.cmpi sgt, %jit3A_1253, %sign3A_1262 : i32
      %sign3A_1264 = arith.extui %sign3A_1263 : i1 to i32
      %sign3A_1265 = arith.constant 0 : i32
      %sign3A_1266 = arith.cmpi slt, %jit3A_1253, %sign3A_1265 : i32
      %sign3A_1267 = arith.extui %sign3A_1266 : i1 to i32
      %sign3A_1268 = arith.subi %sign3A_1264, %sign3A_1267 : i32
      %ne3A_1269 = arith.cmpi ne, %sign3A_1261, %sign3A_1268 : i32
      %rem3A_1270 = arith.remsi %add3A_1252, %jit3A_1253 : i32
      %ne3A_1271 = arith.constant 0 : i32
      %ne3A_1272 = arith.cmpi ne, %rem3A_1270, %ne3A_1271 : i32
      %and3A_1273 = arith.andi %ne3A_1269, %ne3A_1272 : i1
      %sub3A_1274 = arith.constant 1 : i32
      %sub3A_1275 = arith.subi %div3A_1254, %sub3A_1274 : i32
      %select_n3A_1276 = arith.select %and3A_1273, %sub3A_1275, %div3A_1254 : i32
      %jit3A_1277 = arith.constant 128 : i32
      %eq3A_1278 = arith.constant 0 : i32
      %eq3A_1279 = arith.cmpi eq, %jit3A_1277, %eq3A_1278 : i32
      %jit3A_1280 = arith.constant 1 : i32
      %select_n3A_1281 = arith.select %eq3A_1279, %jit3A_1280, %jit3A_1277 : i32
      %rem3A_1282 = arith.remsi %add3A_1252, %select_n3A_1281 : i32
      %ne3A_1283 = arith.constant 0 : i32
      %ne3A_1284 = arith.cmpi ne, %rem3A_1282, %ne3A_1283 : i32
      %lt3A_1285 = arith.constant 0 : i32
      %lt3A_1286 = arith.cmpi slt, %rem3A_1282, %lt3A_1285 : i32
      %lt3A_1287 = arith.constant 0 : i32
      %lt3A_1288 = arith.cmpi slt, %select_n3A_1281, %lt3A_1287 : i32
      %ne3A_1289 = arith.xori %lt3A_1286, %lt3A_1288 : i1
      %and3A_1290 = arith.andi %ne3A_1289, %ne3A_1284 : i1
      %add3A_1291 = arith.addi %rem3A_1282, %select_n3A_1281 : i32
      %select_n3A_1292 = arith.select %and3A_1290, %add3A_1291, %rem3A_1282 : i32
      %mul3A_1293 = arith.constant 2 : i32
      %mul3A_1294 = arith.muli %select_n3A_1276, %mul3A_1293 : i32
      %add3A_1295 = arith.constant 0 : i32
      %add3A_1296 = arith.addi %mul3A_1294, %add3A_1295 : i32
      %mul3A_1297 = arith.constant 128 : i32
      %mul3A_1298 = arith.muli %add3A_1296, %mul3A_1297 : i32
      %add3A_1299 = arith.addi %mul3A_1298, %select_n3A_1292 : i32
      %mul3A_1300 = arith.constant 2 : i32
      %mul3A_1301 = arith.muli %add3A_1299, %mul3A_1300 : i32
      %mul3A_1302 = arith.constant 128 : i32
      %mul3A_1303 = arith.muli %mul3A_1301, %mul3A_1302 : i32
      %dma_start3A_1304 = arith.constant 1 : i32
      %dma_start3A_1305 = arith.constant 0 : i32
      %dma_start3A_1306 = tpu.memref_slice %arg6[%dma_start3A_1305] : memref<512xi32, #tpu.memory_space<vmem>> -> memref<256xi32, #tpu.memory_space<vmem>>
      %dma_start3A_1307 = tpu.memref_slice %arg2[%mul3A_1303] : memref<6553600xi32, #tpu.memory_space<hbm>> -> memref<256xi32, #tpu.memory_space<hbm>>
      %dma_start3A_1308 = tpu.memref_slice %arg17[%dma_start3A_1304] : memref<2x!tpu.dma_semaphore, #tpu.memory_space<semaphore_mem>> -> memref<1x!tpu.dma_semaphore, #tpu.memory_space<semaphore_mem>>
      %dma_start3A_1309 = tpu.memref_squeeze %dma_start3A_1308 : memref<1x!tpu.dma_semaphore, #tpu.memory_space<semaphore_mem>> -> memref<!tpu.dma_semaphore, #tpu.memory_space<semaphore_mem>>
      %dma_start3A_1310 = arith.constant 0 : i32
      %dma_start3A_1311 = tpu.memref_slice %arg6[%dma_start3A_1310] : memref<512xi32, #tpu.memory_space<vmem>> -> memref<256xi32, #tpu.memory_space<vmem>>
      %dma_start3A_1312 = tpu.memref_slice %arg2[%mul3A_1303] : memref<6553600xi32, #tpu.memory_space<hbm>> -> memref<256xi32, #tpu.memory_space<hbm>>
      tpu.enqueue_dma source(%dma_start3A_1312 : memref<256xi32, #tpu.memory_space<hbm>>) target(%dma_start3A_1311 : memref<256xi32, #tpu.memory_space<vmem>>) target_semaphore(%dma_start3A_1309 : memref<!tpu.dma_semaphore, #tpu.memory_space<semaphore_mem>>)
      %mul3A_1313 = arith.constant 2 : i32
      %mul3A_1314 = arith.muli %select_n3A_1276, %mul3A_1313 : i32
      %add3A_1315 = arith.constant 1 : i32
      %add3A_1316 = arith.addi %mul3A_1314, %add3A_1315 : i32
      %mul3A_1317 = arith.constant 128 : i32
      %mul3A_1318 = arith.muli %add3A_1316, %mul3A_1317 : i32
      %add3A_1319 = arith.addi %mul3A_1318, %select_n3A_1292 : i32
      %mul3A_1320 = arith.constant 2 : i32
      %mul3A_1321 = arith.muli %add3A_1319, %mul3A_1320 : i32
      %mul3A_1322 = arith.constant 128 : i32
      %mul3A_1323 = arith.muli %mul3A_1321, %mul3A_1322 : i32
      %dma_start3A_1324 = arith.constant 1 : i32
      %dma_start3A_1325 = arith.constant 256 : i32
      %dma_start3A_1326 = tpu.memref_slice %arg6[%dma_start3A_1325] : memref<512xi32, #tpu.memory_space<vmem>> -> memref<256xi32, #tpu.memory_space<vmem>>
      %dma_start3A_1327 = tpu.memref_slice %arg2[%mul3A_1323] : memref<6553600xi32, #tpu.memory_space<hbm>> -> memref<256xi32, #tpu.memory_space<hbm>>
      %dma_start3A_1328 = tpu.memref_slice %arg17[%dma_start3A_1324] : memref<2x!tpu.dma_semaphore, #tpu.memory_space<semaphore_mem>> -> memref<1x!tpu.dma_semaphore, #tpu.memory_space<semaphore_mem>>
      %dma_start3A_1329 = tpu.memref_squeeze %dma_start3A_1328 : memref<1x!tpu.dma_semaphore, #tpu.memory_space<semaphore_mem>> -> memref<!tpu.dma_semaphore, #tpu.memory_space<semaphore_mem>>
      %dma_start3A_1330 = arith.constant 256 : i32
      %dma_start3A_1331 = tpu.memref_slice %arg6[%dma_start3A_1330] : memref<512xi32, #tpu.memory_space<vmem>> -> memref<256xi32, #tpu.memory_space<vmem>>
      %dma_start3A_1332 = tpu.memref_slice %arg2[%mul3A_1323] : memref<6553600xi32, #tpu.memory_space<hbm>> -> memref<256xi32, #tpu.memory_space<hbm>>
      tpu.enqueue_dma source(%dma_start3A_1332 : memref<256xi32, #tpu.memory_space<hbm>>) target(%dma_start3A_1331 : memref<256xi32, #tpu.memory_space<vmem>>) target_semaphore(%dma_start3A_1329 : memref<!tpu.dma_semaphore, #tpu.memory_space<semaphore_mem>>)
      %ge3A_1333 = arith.constant 2 : i32
      %ge3A_1334 = arith.cmpi sge, %add3A_843, %ge3A_1333 : i32
      %convert_element_type3A_1335 = arith.extui %ge3A_1334 : i1 to i32
      %cond3A_1336 = arith.constant 0 : i32
      %cond3A_1337 = arith.cmpi ne, %convert_element_type3A_1335, %cond3A_1336 : i32
      scf.if %cond3A_1337 {
        %dma_wait3A_1405 = arith.constant 1 : i32
        %dma_wait3A_1406 = arith.constant 1 : i32
        %dma_wait3A_1407 = arith.constant 0 : i32
        %dma_wait3A_1408 = arith.constant 0 : i32
        %dma_wait3A_1409 = tpu.memref_slice %arg15[%dma_wait3A_1405, %dma_wait3A_1407, %dma_wait3A_1408] : memref<2x256x128xf32, #tpu.memory_space<vmem>> -> memref<1x128x128xf32, #tpu.memory_space<vmem>>
        %dma_wait3A_1410 = tpu.memref_squeeze %dma_wait3A_1409 : memref<1x128x128xf32, #tpu.memory_space<vmem>> -> memref<128x128xf32, #tpu.memory_space<vmem>>
        %dma_wait3A_1411 = arith.constant 0 : i32
        %dma_wait3A_1412 = arith.constant 0 : i32
        %dma_wait3A_1413 = tpu.memref_slice %arg4[%dma_wait3A_1411, %dma_wait3A_1412] : memref<3276800x128xf32, #tpu.memory_space<hbm>> -> memref<128x128xf32, #tpu.memory_space<hbm>>
        %dma_wait3A_1414 = tpu.memref_slice %arg19[%dma_wait3A_1406] : memref<2x!tpu.dma_semaphore, #tpu.memory_space<semaphore_mem>> -> memref<1x!tpu.dma_semaphore, #tpu.memory_space<semaphore_mem>>
        %dma_wait3A_1415 = tpu.memref_squeeze %dma_wait3A_1414 : memref<1x!tpu.dma_semaphore, #tpu.memory_space<semaphore_mem>> -> memref<!tpu.dma_semaphore, #tpu.memory_space<semaphore_mem>>
        %dma_wait3A_1416 = arith.constant 0 : i32
        %dma_wait3A_1417 = arith.constant 0 : i32
        %dma_wait3A_1418 = tpu.memref_slice %arg4[%dma_wait3A_1416, %dma_wait3A_1417] : memref<3276800x128xf32, #tpu.memory_space<hbm>> -> memref<128x128xf32, #tpu.memory_space<hbm>>
        %dma_wait3A_1419 = arith.constant 0 : i32
        %dma_wait3A_1420 = arith.constant 0 : i32
        %dma_wait3A_1421 = tpu.memref_slice %arg15[%dma_wait3A_1405, %dma_wait3A_1419, %dma_wait3A_1420] : memref<2x256x128xf32, #tpu.memory_space<vmem>> -> memref<1x128x128xf32, #tpu.memory_space<vmem>>
        %dma_wait3A_1422 = tpu.memref_squeeze %dma_wait3A_1421 : memref<1x128x128xf32, #tpu.memory_space<vmem>> -> memref<128x128xf32, #tpu.memory_space<vmem>>
        tpu.wait_dma2 semaphore(%dma_wait3A_1415 : memref<!tpu.dma_semaphore, #tpu.memory_space<semaphore_mem>>) src(%dma_wait3A_1422 : memref<128x128xf32, #tpu.memory_space<vmem>>) dst(%dma_wait3A_1418 : memref<128x128xf32, #tpu.memory_space<hbm>>)
        %dma_wait3A_1423 = arith.constant 1 : i32
        %dma_wait3A_1424 = arith.constant 1 : i32
        %dma_wait3A_1425 = arith.constant 128 : i32
        %dma_wait3A_1426 = arith.constant 0 : i32
        %dma_wait3A_1427 = tpu.memref_slice %arg15[%dma_wait3A_1423, %dma_wait3A_1425, %dma_wait3A_1426] : memref<2x256x128xf32, #tpu.memory_space<vmem>> -> memref<1x128x128xf32, #tpu.memory_space<vmem>>
        %dma_wait3A_1428 = tpu.memref_squeeze %dma_wait3A_1427 : memref<1x128x128xf32, #tpu.memory_space<vmem>> -> memref<128x128xf32, #tpu.memory_space<vmem>>
        %dma_wait3A_1429 = arith.constant 0 : i32
        %dma_wait3A_1430 = arith.constant 0 : i32
        %dma_wait3A_1431 = tpu.memref_slice %arg4[%dma_wait3A_1429, %dma_wait3A_1430] : memref<3276800x128xf32, #tpu.memory_space<hbm>> -> memref<128x128xf32, #tpu.memory_space<hbm>>
        %dma_wait3A_1432 = tpu.memref_slice %arg19[%dma_wait3A_1424] : memref<2x!tpu.dma_semaphore, #tpu.memory_space<semaphore_mem>> -> memref<1x!tpu.dma_semaphore, #tpu.memory_space<semaphore_mem>>
        %dma_wait3A_1433 = tpu.memref_squeeze %dma_wait3A_1432 : memref<1x!tpu.dma_semaphore, #tpu.memory_space<semaphore_mem>> -> memref<!tpu.dma_semaphore, #tpu.memory_space<semaphore_mem>>
        %dma_wait3A_1434 = arith.constant 0 : i32
        %dma_wait3A_1435 = arith.constant 0 : i32
        %dma_wait3A_1436 = tpu.memref_slice %arg4[%dma_wait3A_1434, %dma_wait3A_1435] : memref<3276800x128xf32, #tpu.memory_space<hbm>> -> memref<128x128xf32, #tpu.memory_space<hbm>>
        %dma_wait3A_1437 = arith.constant 128 : i32
        %dma_wait3A_1438 = arith.constant 0 : i32
        %dma_wait3A_1439 = tpu.memref_slice %arg15[%dma_wait3A_1423, %dma_wait3A_1437, %dma_wait3A_1438] : memref<2x256x128xf32, #tpu.memory_space<vmem>> -> memref<1x128x128xf32, #tpu.memory_space<vmem>>
        %dma_wait3A_1440 = tpu.memref_squeeze %dma_wait3A_1439 : memref<1x128x128xf32, #tpu.memory_space<vmem>> -> memref<128x128xf32, #tpu.memory_space<vmem>>
        tpu.wait_dma2 semaphore(%dma_wait3A_1433 : memref<!tpu.dma_semaphore, #tpu.memory_space<semaphore_mem>>) src(%dma_wait3A_1440 : memref<128x128xf32, #tpu.memory_space<vmem>>) dst(%dma_wait3A_1436 : memref<128x128xf32, #tpu.memory_space<hbm>>)
      } else {
      }
      %dma_start3A_1338 = arith.constant 1 : i32
      %dma_start3A_1339 = arith.constant 1 : i32
      %dma_start3A_1340 = arith.constant 0 : i32
      %dma_start3A_1341 = arith.constant 0 : i32
      %dma_start3A_1342 = tpu.memref_slice %arg15[%dma_start3A_1338, %dma_start3A_1340, %dma_start3A_1341] : memref<2x256x128xf32, #tpu.memory_space<vmem>> -> memref<1x128x128xf32, #tpu.memory_space<vmem>>
      %dma_start3A_1343 = tpu.memref_squeeze %dma_start3A_1342 : memref<1x128x128xf32, #tpu.memory_space<vmem>> -> memref<128x128xf32, #tpu.memory_space<vmem>>
      %dma_start3A_1344 = arith.constant 0 : i32
      %dma_start3A_1345 = arith.constant 0 : i32
      %dma_start3A_1346 = tpu.memref_slice %arg16[%dma_start3A_1344, %dma_start3A_1345] : memref<4320x128xf32, #tpu.memory_space<vmem_shared>> -> memref<4320x128xf32, #tpu.memory_space<vmem_shared>>
      %dma_start3A_1347 = tpu.memref_slice %arg18[%dma_start3A_1339] : memref<2x!tpu.dma_semaphore, #tpu.memory_space<semaphore_mem>> -> memref<1x!tpu.dma_semaphore, #tpu.memory_space<semaphore_mem>>
      %dma_start3A_1348 = tpu.memref_squeeze %dma_start3A_1347 : memref<1x!tpu.dma_semaphore, #tpu.memory_space<semaphore_mem>> -> memref<!tpu.dma_semaphore, #tpu.memory_space<semaphore_mem>>
      tpu.enqueue_indirect_dma source(%dma_start3A_1346 : memref<4320x128xf32, #tpu.memory_space<vmem_shared>>) target(%dma_start3A_1343 : memref<128x128xf32, #tpu.memory_space<vmem>>) offsets(%arg9 : memref<128xi32, #tpu.memory_space<vmem>>) semaphore(%dma_start3A_1348 : memref<!tpu.dma_semaphore, #tpu.memory_space<semaphore_mem>>)
      %dma_start3A_1349 = arith.constant 1 : i32
      %dma_start3A_1350 = arith.constant 1 : i32
      %dma_start3A_1351 = arith.constant 128 : i32
      %dma_start3A_1352 = arith.constant 0 : i32
      %dma_start3A_1353 = tpu.memref_slice %arg15[%dma_start3A_1349, %dma_start3A_1351, %dma_start3A_1352] : memref<2x256x128xf32, #tpu.memory_space<vmem>> -> memref<1x128x128xf32, #tpu.memory_space<vmem>>
      %dma_start3A_1354 = tpu.memref_squeeze %dma_start3A_1353 : memref<1x128x128xf32, #tpu.memory_space<vmem>> -> memref<128x128xf32, #tpu.memory_space<vmem>>
      %dma_start3A_1355 = arith.constant 0 : i32
      %dma_start3A_1356 = arith.constant 0 : i32
      %dma_start3A_1357 = tpu.memref_slice %arg16[%dma_start3A_1355, %dma_start3A_1356] : memref<4320x128xf32, #tpu.memory_space<vmem_shared>> -> memref<4320x128xf32, #tpu.memory_space<vmem_shared>>
      %dma_start3A_1358 = tpu.memref_slice %arg18[%dma_start3A_1350] : memref<2x!tpu.dma_semaphore, #tpu.memory_space<semaphore_mem>> -> memref<1x!tpu.dma_semaphore, #tpu.memory_space<semaphore_mem>>
      %dma_start3A_1359 = tpu.memref_squeeze %dma_start3A_1358 : memref<1x!tpu.dma_semaphore, #tpu.memory_space<semaphore_mem>> -> memref<!tpu.dma_semaphore, #tpu.memory_space<semaphore_mem>>
      tpu.enqueue_indirect_dma source(%dma_start3A_1357 : memref<4320x128xf32, #tpu.memory_space<vmem_shared>>) target(%dma_start3A_1354 : memref<128x128xf32, #tpu.memory_space<vmem>>) offsets(%arg10 : memref<128xi32, #tpu.memory_space<vmem>>) semaphore(%dma_start3A_1359 : memref<!tpu.dma_semaphore, #tpu.memory_space<semaphore_mem>>)
      %dma_wait3A_1360 = arith.constant 1 : i32
      %dma_wait3A_1361 = arith.constant 1 : i32
      %dma_wait3A_1362 = arith.constant 0 : i32
      %dma_wait3A_1363 = arith.constant 0 : i32
      %dma_wait3A_1364 = tpu.memref_slice %arg15[%dma_wait3A_1360, %dma_wait3A_1362, %dma_wait3A_1363] : memref<2x256x128xf32, #tpu.memory_space<vmem>> -> memref<1x128x128xf32, #tpu.memory_space<vmem>>
      %dma_wait3A_1365 = tpu.memref_squeeze %dma_wait3A_1364 : memref<1x128x128xf32, #tpu.memory_space<vmem>> -> memref<128x128xf32, #tpu.memory_space<vmem>>
      %dma_wait3A_1366 = arith.constant 0 : i32
      %dma_wait3A_1367 = arith.constant 0 : i32
      %dma_wait3A_1368 = tpu.memref_slice %arg16[%dma_wait3A_1366, %dma_wait3A_1367] : memref<4320x128xf32, #tpu.memory_space<vmem_shared>> -> memref<4320x128xf32, #tpu.memory_space<vmem_shared>>
      %dma_wait3A_1369 = tpu.memref_slice %arg18[%dma_wait3A_1361] : memref<2x!tpu.dma_semaphore, #tpu.memory_space<semaphore_mem>> -> memref<1x!tpu.dma_semaphore, #tpu.memory_space<semaphore_mem>>
      %dma_wait3A_1370 = tpu.memref_squeeze %dma_wait3A_1369 : memref<1x!tpu.dma_semaphore, #tpu.memory_space<semaphore_mem>> -> memref<!tpu.dma_semaphore, #tpu.memory_space<semaphore_mem>>
      tpu.wait_indirect_dma semaphore(%dma_wait3A_1370 : memref<!tpu.dma_semaphore, #tpu.memory_space<semaphore_mem>>) src(%dma_wait3A_1368 : memref<4320x128xf32, #tpu.memory_space<vmem_shared>>) dst(%dma_wait3A_1365 : memref<128x128xf32, #tpu.memory_space<vmem>>)
      %dma_wait3A_1371 = arith.constant 1 : i32
      %dma_wait3A_1372 = arith.constant 1 : i32
      %dma_wait3A_1373 = arith.constant 128 : i32
      %dma_wait3A_1374 = arith.constant 0 : i32
      %dma_wait3A_1375 = tpu.memref_slice %arg15[%dma_wait3A_1371, %dma_wait3A_1373, %dma_wait3A_1374] : memref<2x256x128xf32, #tpu.memory_space<vmem>> -> memref<1x128x128xf32, #tpu.memory_space<vmem>>
      %dma_wait3A_1376 = tpu.memref_squeeze %dma_wait3A_1375 : memref<1x128x128xf32, #tpu.memory_space<vmem>> -> memref<128x128xf32, #tpu.memory_space<vmem>>
      %dma_wait3A_1377 = arith.constant 0 : i32
      %dma_wait3A_1378 = arith.constant 0 : i32
      %dma_wait3A_1379 = tpu.memref_slice %arg16[%dma_wait3A_1377, %dma_wait3A_1378] : memref<4320x128xf32, #tpu.memory_space<vmem_shared>> -> memref<4320x128xf32, #tpu.memory_space<vmem_shared>>
      %dma_wait3A_1380 = tpu.memref_slice %arg18[%dma_wait3A_1372] : memref<2x!tpu.dma_semaphore, #tpu.memory_space<semaphore_mem>> -> memref<1x!tpu.dma_semaphore, #tpu.memory_space<semaphore_mem>>
      %dma_wait3A_1381 = tpu.memref_squeeze %dma_wait3A_1380 : memref<1x!tpu.dma_semaphore, #tpu.memory_space<semaphore_mem>> -> memref<!tpu.dma_semaphore, #tpu.memory_space<semaphore_mem>>
      tpu.wait_indirect_dma semaphore(%dma_wait3A_1381 : memref<!tpu.dma_semaphore, #tpu.memory_space<semaphore_mem>>) src(%dma_wait3A_1379 : memref<4320x128xf32, #tpu.memory_space<vmem_shared>>) dst(%dma_wait3A_1376 : memref<128x128xf32, #tpu.memory_space<vmem>>)
      %dma_start3A_1382 = arith.constant 1 : i32
      %dma_start3A_1383 = arith.constant 1 : i32
      %dma_start3A_1384 = arith.constant 0 : i32
      %dma_start3A_1385 = arith.constant 0 : i32
      %dma_start3A_1386 = tpu.memref_slice %arg15[%dma_start3A_1382, %dma_start3A_1384, %dma_start3A_1385] : memref<2x256x128xf32, #tpu.memory_space<vmem>> -> memref<1x128x128xf32, #tpu.memory_space<vmem>>
      %dma_start3A_1387 = tpu.memref_squeeze %dma_start3A_1386 : memref<1x128x128xf32, #tpu.memory_space<vmem>> -> memref<128x128xf32, #tpu.memory_space<vmem>>
      %dma_start3A_1388 = arith.constant 0 : i32
      %dma_start3A_1389 = arith.constant 0 : i32
      %dma_start3A_1390 = tpu.memref_slice %arg4[%dma_start3A_1388, %dma_start3A_1389] : memref<3276800x128xf32, #tpu.memory_space<hbm>> -> memref<3276800x128xf32, #tpu.memory_space<hbm>>
      %dma_start3A_1391 = tpu.memref_slice %arg19[%dma_start3A_1383] : memref<2x!tpu.dma_semaphore, #tpu.memory_space<semaphore_mem>> -> memref<1x!tpu.dma_semaphore, #tpu.memory_space<semaphore_mem>>
      %dma_start3A_1392 = tpu.memref_squeeze %dma_start3A_1391 : memref<1x!tpu.dma_semaphore, #tpu.memory_space<semaphore_mem>> -> memref<!tpu.dma_semaphore, #tpu.memory_space<semaphore_mem>>
      tpu.enqueue_indirect_dma source(%dma_start3A_1387 : memref<128x128xf32, #tpu.memory_space<vmem>>) target(%dma_start3A_1390 : memref<3276800x128xf32, #tpu.memory_space<hbm>>) offsets(%arg13 : memref<128xi32, #tpu.memory_space<vmem>>) semaphore(%dma_start3A_1392 : memref<!tpu.dma_semaphore, #tpu.memory_space<semaphore_mem>>)
      %dma_start3A_1393 = arith.constant 1 : i32
      %dma_start3A_1394 = arith.constant 1 : i32
      %dma_start3A_1395 = arith.constant 128 : i32
      %dma_start3A_1396 = arith.constant 0 : i32
      %dma_start3A_1397 = tpu.memref_slice %arg15[%dma_start3A_1393, %dma_start3A_1395, %dma_start3A_1396] : memref<2x256x128xf32, #tpu.memory_space<vmem>> -> memref<1x128x128xf32, #tpu.memory_space<vmem>>
      %dma_start3A_1398 = tpu.memref_squeeze %dma_start3A_1397 : memref<1x128x128xf32, #tpu.memory_space<vmem>> -> memref<128x128xf32, #tpu.memory_space<vmem>>
      %dma_start3A_1399 = arith.constant 0 : i32
      %dma_start3A_1400 = arith.constant 0 : i32
      %dma_start3A_1401 = tpu.memref_slice %arg4[%dma_start3A_1399, %dma_start3A_1400] : memref<3276800x128xf32, #tpu.memory_space<hbm>> -> memref<3276800x128xf32, #tpu.memory_space<hbm>>
      %dma_start3A_1402 = tpu.memref_slice %arg19[%dma_start3A_1394] : memref<2x!tpu.dma_semaphore, #tpu.memory_space<semaphore_mem>> -> memref<1x!tpu.dma_semaphore, #tpu.memory_space<semaphore_mem>>
      %dma_start3A_1403 = tpu.memref_squeeze %dma_start3A_1402 : memref<1x!tpu.dma_semaphore, #tpu.memory_space<semaphore_mem>> -> memref<!tpu.dma_semaphore, #tpu.memory_space<semaphore_mem>>
      tpu.enqueue_indirect_dma source(%dma_start3A_1398 : memref<128x128xf32, #tpu.memory_space<vmem>>) target(%dma_start3A_1401 : memref<3276800x128xf32, #tpu.memory_space<hbm>>) offsets(%arg14 : memref<128xi32, #tpu.memory_space<vmem>>) semaphore(%dma_start3A_1403 : memref<!tpu.dma_semaphore, #tpu.memory_space<semaphore_mem>>)
      %scan3A_1404 = arith.constant 0 : i32
      scf.yield %scan3A_1404 : i32
    }
    %scan3A_164 = arith.constant 200 : i32
    %dma_wait3A = arith.constant 0 : i32
    %dma_wait3A_165 = arith.constant 0 : i32
    %dma_wait3A_166 = arith.constant 0 : i32
    %dma_wait3A_167 = arith.constant 0 : i32
    %dma_wait3A_168 = tpu.memref_slice %arg15[%dma_wait3A, %dma_wait3A_166, %dma_wait3A_167] : memref<2x256x128xf32, #tpu.memory_space<vmem>> -> memref<1x128x128xf32, #tpu.memory_space<vmem>>
    %dma_wait3A_169 = tpu.memref_squeeze %dma_wait3A_168 : memref<1x128x128xf32, #tpu.memory_space<vmem>> -> memref<128x128xf32, #tpu.memory_space<vmem>>
    %dma_wait3A_170 = arith.constant 0 : i32
    %dma_wait3A_171 = arith.constant 0 : i32
    %dma_wait3A_172 = tpu.memref_slice %arg4[%dma_wait3A_170, %dma_wait3A_171] : memref<3276800x128xf32, #tpu.memory_space<hbm>> -> memref<128x128xf32, #tpu.memory_space<hbm>>
    %dma_wait3A_173 = tpu.memref_slice %arg19[%dma_wait3A_165] : memref<2x!tpu.dma_semaphore, #tpu.memory_space<semaphore_mem>> -> memref<1x!tpu.dma_semaphore, #tpu.memory_space<semaphore_mem>>
    %dma_wait3A_174 = tpu.memref_squeeze %dma_wait3A_173 : memref<1x!tpu.dma_semaphore, #tpu.memory_space<semaphore_mem>> -> memref<!tpu.dma_semaphore, #tpu.memory_space<semaphore_mem>>
    %dma_wait3A_175 = arith.constant 0 : i32
    %dma_wait3A_176 = arith.constant 0 : i32
    %dma_wait3A_177 = tpu.memref_slice %arg4[%dma_wait3A_175, %dma_wait3A_176] : memref<3276800x128xf32, #tpu.memory_space<hbm>> -> memref<128x128xf32, #tpu.memory_space<hbm>>
    %dma_wait3A_178 = arith.constant 0 : i32
    %dma_wait3A_179 = arith.constant 0 : i32
    %dma_wait3A_180 = tpu.memref_slice %arg15[%dma_wait3A, %dma_wait3A_178, %dma_wait3A_179] : memref<2x256x128xf32, #tpu.memory_space<vmem>> -> memref<1x128x128xf32, #tpu.memory_space<vmem>>
    %dma_wait3A_181 = tpu.memref_squeeze %dma_wait3A_180 : memref<1x128x128xf32, #tpu.memory_space<vmem>> -> memref<128x128xf32, #tpu.memory_space<vmem>>
    tpu.wait_dma2 semaphore(%dma_wait3A_174 : memref<!tpu.dma_semaphore, #tpu.memory_space<semaphore_mem>>) src(%dma_wait3A_181 : memref<128x128xf32, #tpu.memory_space<vmem>>) dst(%dma_wait3A_177 : memref<128x128xf32, #tpu.memory_space<hbm>>)
    %dma_wait3A_182 = arith.constant 0 : i32
    %dma_wait3A_183 = arith.constant 0 : i32
    %dma_wait3A_184 = arith.constant 128 : i32
    %dma_wait3A_185 = arith.constant 0 : i32
    %dma_wait3A_186 = tpu.memref_slice %arg15[%dma_wait3A_182, %dma_wait3A_184, %dma_wait3A_185] : memref<2x256x128xf32, #tpu.memory_space<vmem>> -> memref<1x128x128xf32, #tpu.memory_space<vmem>>
    %dma_wait3A_187 = tpu.memref_squeeze %dma_wait3A_186 : memref<1x128x128xf32, #tpu.memory_space<vmem>> -> memref<128x128xf32, #tpu.memory_space<vmem>>
    %dma_wait3A_188 = arith.constant 0 : i32
    %dma_wait3A_189 = arith.constant 0 : i32
    %dma_wait3A_190 = tpu.memref_slice %arg4[%dma_wait3A_188, %dma_wait3A_189] : memref<3276800x128xf32, #tpu.memory_space<hbm>> -> memref<128x128xf32, #tpu.memory_space<hbm>>
    %dma_wait3A_191 = tpu.memref_slice %arg19[%dma_wait3A_183] : memref<2x!tpu.dma_semaphore, #tpu.memory_space<semaphore_mem>> -> memref<1x!tpu.dma_semaphore, #tpu.memory_space<semaphore_mem>>
    %dma_wait3A_192 = tpu.memref_squeeze %dma_wait3A_191 : memref<1x!tpu.dma_semaphore, #tpu.memory_space<semaphore_mem>> -> memref<!tpu.dma_semaphore, #tpu.memory_space<semaphore_mem>>
    %dma_wait3A_193 = arith.constant 0 : i32
    %dma_wait3A_194 = arith.constant 0 : i32
    %dma_wait3A_195 = tpu.memref_slice %arg4[%dma_wait3A_193, %dma_wait3A_194] : memref<3276800x128xf32, #tpu.memory_space<hbm>> -> memref<128x128xf32, #tpu.memory_space<hbm>>
    %dma_wait3A_196 = arith.constant 128 : i32
    %dma_wait3A_197 = arith.constant 0 : i32
    %dma_wait3A_198 = tpu.memref_slice %arg15[%dma_wait3A_182, %dma_wait3A_196, %dma_wait3A_197] : memref<2x256x128xf32, #tpu.memory_space<vmem>> -> memref<1x128x128xf32, #tpu.memory_space<vmem>>
    %dma_wait3A_199 = tpu.memref_squeeze %dma_wait3A_198 : memref<1x128x128xf32, #tpu.memory_space<vmem>> -> memref<128x128xf32, #tpu.memory_space<vmem>>
    tpu.wait_dma2 semaphore(%dma_wait3A_192 : memref<!tpu.dma_semaphore, #tpu.memory_space<semaphore_mem>>) src(%dma_wait3A_199 : memref<128x128xf32, #tpu.memory_space<vmem>>) dst(%dma_wait3A_195 : memref<128x128xf32, #tpu.memory_space<hbm>>)
    %dma_wait3A_200 = arith.constant 0 : i32
    %dma_wait3A_201 = arith.constant 0 : i32
    %dma_wait3A_202 = tpu.memref_slice %arg5[%dma_wait3A_201] : memref<512xi32, #tpu.memory_space<vmem>> -> memref<256xi32, #tpu.memory_space<vmem>>
    %dma_wait3A_203 = arith.constant 0 : i32
    %dma_wait3A_204 = tpu.memref_slice %arg2[%dma_wait3A_203] : memref<6553600xi32, #tpu.memory_space<hbm>> -> memref<256xi32, #tpu.memory_space<hbm>>
    %dma_wait3A_205 = tpu.memref_slice %arg17[%dma_wait3A_200] : memref<2x!tpu.dma_semaphore, #tpu.memory_space<semaphore_mem>> -> memref<1x!tpu.dma_semaphore, #tpu.memory_space<semaphore_mem>>
    %dma_wait3A_206 = tpu.memref_squeeze %dma_wait3A_205 : memref<1x!tpu.dma_semaphore, #tpu.memory_space<semaphore_mem>> -> memref<!tpu.dma_semaphore, #tpu.memory_space<semaphore_mem>>
    %dma_wait3A_207 = arith.constant 0 : i32
    %dma_wait3A_208 = tpu.memref_slice %arg5[%dma_wait3A_207] : memref<512xi32, #tpu.memory_space<vmem>> -> memref<256xi32, #tpu.memory_space<vmem>>
    %dma_wait3A_209 = arith.constant 0 : i32
    %dma_wait3A_210 = tpu.memref_slice %arg2[%dma_wait3A_209] : memref<6553600xi32, #tpu.memory_space<hbm>> -> memref<256xi32, #tpu.memory_space<hbm>>
    tpu.wait_dma2 semaphore(%dma_wait3A_206 : memref<!tpu.dma_semaphore, #tpu.memory_space<semaphore_mem>>) src(%dma_wait3A_210 : memref<256xi32, #tpu.memory_space<hbm>>) dst(%dma_wait3A_208 : memref<256xi32, #tpu.memory_space<vmem>>)
    %dma_wait3A_211 = arith.constant 0 : i32
    %dma_wait3A_212 = arith.constant 0 : i32
    %dma_wait3A_213 = tpu.memref_slice %arg5[%dma_wait3A_212] : memref<512xi32, #tpu.memory_space<vmem>> -> memref<256xi32, #tpu.memory_space<vmem>>
    %dma_wait3A_214 = arith.constant 0 : i32
    %dma_wait3A_215 = tpu.memref_slice %arg2[%dma_wait3A_214] : memref<6553600xi32, #tpu.memory_space<hbm>> -> memref<256xi32, #tpu.memory_space<hbm>>
    %dma_wait3A_216 = tpu.memref_slice %arg17[%dma_wait3A_211] : memref<2x!tpu.dma_semaphore, #tpu.memory_space<semaphore_mem>> -> memref<1x!tpu.dma_semaphore, #tpu.memory_space<semaphore_mem>>
    %dma_wait3A_217 = tpu.memref_squeeze %dma_wait3A_216 : memref<1x!tpu.dma_semaphore, #tpu.memory_space<semaphore_mem>> -> memref<!tpu.dma_semaphore, #tpu.memory_space<semaphore_mem>>
    %dma_wait3A_218 = arith.constant 0 : i32
    %dma_wait3A_219 = tpu.memref_slice %arg5[%dma_wait3A_218] : memref<512xi32, #tpu.memory_space<vmem>> -> memref<256xi32, #tpu.memory_space<vmem>>
    %dma_wait3A_220 = arith.constant 0 : i32
    %dma_wait3A_221 = tpu.memref_slice %arg2[%dma_wait3A_220] : memref<6553600xi32, #tpu.memory_space<hbm>> -> memref<256xi32, #tpu.memory_space<hbm>>
    tpu.wait_dma2 semaphore(%dma_wait3A_217 : memref<!tpu.dma_semaphore, #tpu.memory_space<semaphore_mem>>) src(%dma_wait3A_221 : memref<256xi32, #tpu.memory_space<hbm>>) dst(%dma_wait3A_219 : memref<256xi32, #tpu.memory_space<vmem>>)
    %dma_wait3A_222 = arith.constant 1 : i32
    %dma_wait3A_223 = arith.constant 1 : i32
    %dma_wait3A_224 = arith.constant 0 : i32
    %dma_wait3A_225 = arith.constant 0 : i32
    %dma_wait3A_226 = tpu.memref_slice %arg15[%dma_wait3A_222, %dma_wait3A_224, %dma_wait3A_225] : memref<2x256x128xf32, #tpu.memory_space<vmem>> -> memref<1x128x128xf32, #tpu.memory_space<vmem>>
    %dma_wait3A_227 = tpu.memref_squeeze %dma_wait3A_226 : memref<1x128x128xf32, #tpu.memory_space<vmem>> -> memref<128x128xf32, #tpu.memory_space<vmem>>
    %dma_wait3A_228 = arith.constant 0 : i32
    %dma_wait3A_229 = arith.constant 0 : i32
    %dma_wait3A_230 = tpu.memref_slice %arg4[%dma_wait3A_228, %dma_wait3A_229] : memref<3276800x128xf32, #tpu.memory_space<hbm>> -> memref<128x128xf32, #tpu.memory_space<hbm>>
    %dma_wait3A_231 = tpu.memref_slice %arg19[%dma_wait3A_223] : memref<2x!tpu.dma_semaphore, #tpu.memory_space<semaphore_mem>> -> memref<1x!tpu.dma_semaphore, #tpu.memory_space<semaphore_mem>>
    %dma_wait3A_232 = tpu.memref_squeeze %dma_wait3A_231 : memref<1x!tpu.dma_semaphore, #tpu.memory_space<semaphore_mem>> -> memref<!tpu.dma_semaphore, #tpu.memory_space<semaphore_mem>>
    %dma_wait3A_233 = arith.constant 0 : i32
    %dma_wait3A_234 = arith.constant 0 : i32
    %dma_wait3A_235 = tpu.memref_slice %arg4[%dma_wait3A_233, %dma_wait3A_234] : memref<3276800x128xf32, #tpu.memory_space<hbm>> -> memref<128x128xf32, #tpu.memory_space<hbm>>
    %dma_wait3A_236 = arith.constant 0 : i32
    %dma_wait3A_237 = arith.constant 0 : i32
    %dma_wait3A_238 = tpu.memref_slice %arg15[%dma_wait3A_222, %dma_wait3A_236, %dma_wait3A_237] : memref<2x256x128xf32, #tpu.memory_space<vmem>> -> memref<1x128x128xf32, #tpu.memory_space<vmem>>
    %dma_wait3A_239 = tpu.memref_squeeze %dma_wait3A_238 : memref<1x128x128xf32, #tpu.memory_space<vmem>> -> memref<128x128xf32, #tpu.memory_space<vmem>>
    tpu.wait_dma2 semaphore(%dma_wait3A_232 : memref<!tpu.dma_semaphore, #tpu.memory_space<semaphore_mem>>) src(%dma_wait3A_239 : memref<128x128xf32, #tpu.memory_space<vmem>>) dst(%dma_wait3A_235 : memref<128x128xf32, #tpu.memory_space<hbm>>)
    %dma_wait3A_240 = arith.constant 1 : i32
    %dma_wait3A_241 = arith.constant 1 : i32
    %dma_wait3A_242 = arith.constant 128 : i32
    %dma_wait3A_243 = arith.constant 0 : i32
    %dma_wait3A_244 = tpu.memref_slice %arg15[%dma_wait3A_240, %dma_wait3A_242, %dma_wait3A_243] : memref<2x256x128xf32, #tpu.memory_space<vmem>> -> memref<1x128x128xf32, #tpu.memory_space<vmem>>
    %dma_wait3A_245 = tpu.memref_squeeze %dma_wait3A_244 : memref<1x128x128xf32, #tpu.memory_space<vmem>> -> memref<128x128xf32, #tpu.memory_space<vmem>>
    %dma_wait3A_246 = arith.constant 0 : i32
    %dma_wait3A_247 = arith.constant 0 : i32
    %dma_wait3A_248 = tpu.memref_slice %arg4[%dma_wait3A_246, %dma_wait3A_247] : memref<3276800x128xf32, #tpu.memory_space<hbm>> -> memref<128x128xf32, #tpu.memory_space<hbm>>
    %dma_wait3A_249 = tpu.memref_slice %arg19[%dma_wait3A_241] : memref<2x!tpu.dma_semaphore, #tpu.memory_space<semaphore_mem>> -> memref<1x!tpu.dma_semaphore, #tpu.memory_space<semaphore_mem>>
    %dma_wait3A_250 = tpu.memref_squeeze %dma_wait3A_249 : memref<1x!tpu.dma_semaphore, #tpu.memory_space<semaphore_mem>> -> memref<!tpu.dma_semaphore, #tpu.memory_space<semaphore_mem>>
    %dma_wait3A_251 = arith.constant 0 : i32
    %dma_wait3A_252 = arith.constant 0 : i32
    %dma_wait3A_253 = tpu.memref_slice %arg4[%dma_wait3A_251, %dma_wait3A_252] : memref<3276800x128xf32, #tpu.memory_space<hbm>> -> memref<128x128xf32, #tpu.memory_space<hbm>>
    %dma_wait3A_254 = arith.constant 128 : i32
    %dma_wait3A_255 = arith.constant 0 : i32
    %dma_wait3A_256 = tpu.memref_slice %arg15[%dma_wait3A_240, %dma_wait3A_254, %dma_wait3A_255] : memref<2x256x128xf32, #tpu.memory_space<vmem>> -> memref<1x128x128xf32, #tpu.memory_space<vmem>>
    %dma_wait3A_257 = tpu.memref_squeeze %dma_wait3A_256 : memref<1x128x128xf32, #tpu.memory_space<vmem>> -> memref<128x128xf32, #tpu.memory_space<vmem>>
    tpu.wait_dma2 semaphore(%dma_wait3A_250 : memref<!tpu.dma_semaphore, #tpu.memory_space<semaphore_mem>>) src(%dma_wait3A_257 : memref<128x128xf32, #tpu.memory_space<vmem>>) dst(%dma_wait3A_253 : memref<128x128xf32, #tpu.memory_space<hbm>>)
    %dma_wait3A_258 = arith.constant 1 : i32
    %dma_wait3A_259 = arith.constant 0 : i32
    %dma_wait3A_260 = tpu.memref_slice %arg6[%dma_wait3A_259] : memref<512xi32, #tpu.memory_space<vmem>> -> memref<256xi32, #tpu.memory_space<vmem>>
    %dma_wait3A_261 = arith.constant 0 : i32
    %dma_wait3A_262 = tpu.memref_slice %arg2[%dma_wait3A_261] : memref<6553600xi32, #tpu.memory_space<hbm>> -> memref<256xi32, #tpu.memory_space<hbm>>
    %dma_wait3A_263 = tpu.memref_slice %arg17[%dma_wait3A_258] : memref<2x!tpu.dma_semaphore, #tpu.memory_space<semaphore_mem>> -> memref<1x!tpu.dma_semaphore, #tpu.memory_space<semaphore_mem>>
    %dma_wait3A_264 = tpu.memref_squeeze %dma_wait3A_263 : memref<1x!tpu.dma_semaphore, #tpu.memory_space<semaphore_mem>> -> memref<!tpu.dma_semaphore, #tpu.memory_space<semaphore_mem>>
    %dma_wait3A_265 = arith.constant 0 : i32
    %dma_wait3A_266 = tpu.memref_slice %arg6[%dma_wait3A_265] : memref<512xi32, #tpu.memory_space<vmem>> -> memref<256xi32, #tpu.memory_space<vmem>>
    %dma_wait3A_267 = arith.constant 0 : i32
    %dma_wait3A_268 = tpu.memref_slice %arg2[%dma_wait3A_267] : memref<6553600xi32, #tpu.memory_space<hbm>> -> memref<256xi32, #tpu.memory_space<hbm>>
    tpu.wait_dma2 semaphore(%dma_wait3A_264 : memref<!tpu.dma_semaphore, #tpu.memory_space<semaphore_mem>>) src(%dma_wait3A_268 : memref<256xi32, #tpu.memory_space<hbm>>) dst(%dma_wait3A_266 : memref<256xi32, #tpu.memory_space<vmem>>)
    %dma_wait3A_269 = arith.constant 1 : i32
    %dma_wait3A_270 = arith.constant 0 : i32
    %dma_wait3A_271 = tpu.memref_slice %arg6[%dma_wait3A_270] : memref<512xi32, #tpu.memory_space<vmem>> -> memref<256xi32, #tpu.memory_space<vmem>>
    %dma_wait3A_272 = arith.constant 0 : i32
    %dma_wait3A_273 = tpu.memref_slice %arg2[%dma_wait3A_272] : memref<6553600xi32, #tpu.memory_space<hbm>> -> memref<256xi32, #tpu.memory_space<hbm>>
    %dma_wait3A_274 = tpu.memref_slice %arg17[%dma_wait3A_269] : memref<2x!tpu.dma_semaphore, #tpu.memory_space<semaphore_mem>> -> memref<1x!tpu.dma_semaphore, #tpu.memory_space<semaphore_mem>>
    %dma_wait3A_275 = tpu.memref_squeeze %dma_wait3A_274 : memref<1x!tpu.dma_semaphore, #tpu.memory_space<semaphore_mem>> -> memref<!tpu.dma_semaphore, #tpu.memory_space<semaphore_mem>>
    %dma_wait3A_276 = arith.constant 0 : i32
    %dma_wait3A_277 = tpu.memref_slice %arg6[%dma_wait3A_276] : memref<512xi32, #tpu.memory_space<vmem>> -> memref<256xi32, #tpu.memory_space<vmem>>
    %dma_wait3A_278 = arith.constant 0 : i32
    %dma_wait3A_279 = tpu.memref_slice %arg2[%dma_wait3A_278] : memref<6553600xi32, #tpu.memory_space<hbm>> -> memref<256xi32, #tpu.memory_space<hbm>>
    tpu.wait_dma2 semaphore(%dma_wait3A_275 : memref<!tpu.dma_semaphore, #tpu.memory_space<semaphore_mem>>) src(%dma_wait3A_279 : memref<256xi32, #tpu.memory_space<hbm>>) dst(%dma_wait3A_277 : memref<256xi32, #tpu.memory_space<vmem>>)
    return
  }
}

module attributes {stable_mosaic.version = 14 : i64} {
  func.func @_csum_body(%arg0: memref<72x128xf32, #tpu.memory_space<vmem>>, %arg1: memref<60x128xf32, #tpu.memory_space<vmem>>, %arg2: memref<4320x128xf32, #tpu.memory_space<vmem>>) attributes {dimension_semantics = [], scalar_prefetch = 0 : i64, scratch_operands = 0 : i64, tpu.core_type = #tpu.core_type<tc>} {
    %get3A = arith.constant 0 : index
    %get3A_0 = arith.constant 0 : index
    %get3A_1 = vector.load %arg0[%get3A, %get3A_0] : memref<72x128xf32, #tpu.memory_space<vmem>>, vector<72x128xf32>
    %get3A_2 = arith.constant 0 : index
    %get3A_3 = arith.constant 0 : index
    %get3A_4 = vector.load %arg1[%get3A_2, %get3A_3] : memref<60x128xf32, #tpu.memory_space<vmem>>, vector<60x128xf32>
    %broadcast_in_dim3A = vector.shape_cast %get3A_1 : vector<72x128xf32> to vector<72x1x128xf32>
    %broadcast_in_dim3A_5 = vector.shape_cast %get3A_4 : vector<60x128xf32> to vector<1x60x128xf32>
    %add3A = vector.broadcast %broadcast_in_dim3A : vector<72x1x128xf32> to vector<72x60x128xf32>
    %add3A_6 = vector.broadcast %broadcast_in_dim3A_5 : vector<1x60x128xf32> to vector<72x60x128xf32>
    %add3A_7 = arith.addf %add3A, %add3A_6 : vector<72x60x128xf32>
    %reshape3A = vector.shape_cast %add3A_7 : vector<72x60x128xf32> to vector<4320x128xf32>
    %swap3A = arith.constant 0 : index
    %swap3A_8 = arith.constant 0 : index
    %swap3A_9 = vector.load %arg2[%swap3A, %swap3A_8] : memref<4320x128xf32, #tpu.memory_space<vmem>>, vector<4320x128xf32>
    tpu.vector_store %arg2[%swap3A, %swap3A_8], %reshape3A {strides = array<i32>} : memref<4320x128xf32, #tpu.memory_space<vmem>>, vector<4320x128xf32>,
    return
  }
}

</mosaic_0001>

<sc_bundles>
// kernel: kernel.4.cloned.1.call-start
scs
__scs_entry_jumppad:
0x0: {  	(pc) =	sbr.rel $0x88, $3  }
0x1: {  	(tag) =	ssettag $0x0;
	lr =	simm.s32 $0x1  }
0x2: {  	[smem:$0x3F9E] =	sst lr;
	_ =	strace $0xD0000000  }
0x3: {  	_ = 	snop  }
0x4: {  	_ = 	snop  }
0x5: {  	_ = 	snop  }
0x6: {  	_ = 	snop  }
0x7: {  	_ = 	snop  }
__scs_overlays_trampoline_lowered:
0x8: {  	[smem:$0x3FAD] =	sst s0  }
0x9: {  	[smem:$0x3FAE] =	sst s1  }
0xa: {  	[smem:$0x3FAF] =	sst s2  }
0xb: {  	[smem:$0x3FB0] =	sst s3  }
0xc: {  	[smem:$0x3FB1] =	sst s4  }
0xd: {  	[smem:$0x3FB2] =	sst s5  }
0xe: {  	[smem:$0x3FB3] =	sst s6  }
0xf: {  	[smem:$0x3FB4] =	sst s7  }
0x10: {  	[smem:$0x3FB5] =	sst s8  }
0x11: {  	[smem:$0x3FB6] =	sst s9;
	s0 =	simm.s32 @!p0 $0x0  }
0x12: {  	s1 =	sld [smem:$0x3F9C];
	s0 =	simm.s32 @p0 $0x1  }
0x13: {  	[smem:$0x3FB7] =	sst s0;
	s0 =	simm.s32 @!p1 $0x0  }
0x14: {  	s2 =	sld [smem:$0x3F9B];
	s0 =	simm.s32 @p1 $0x1  }
0x15: {  	[smem:$0x3FB8] =	sst s0;
	s0 =	simm.s32 @!p2 $0x0  }
0x16: {  	s3 =	sld [smem:$0x3FDB];
	s0 =	simm.s32 @p2 $0x1  }
0x17: {  	s4 =	simm.s32 $0x1BF5;
	[smem:$0x3FBA] =	sst s0  }
0x18: {  	s0 =	sld [smem:$0x3F9D];
	_ =	swait.ge [sflag:s4], $0x0  }
0x19: {  	s7 =	sld [smem:$0x3F9E]  }
0x1a: {  	s8 =	sadd.s32 $0xFFFFE003, lr  }
0x1b: {  	s9 =	sadd.s32 $0xFFFFFEF7, lr;
	s5 =	simm.s32 $0xFFFFFFFF;
	p2 =	slt.u32 s8, $0xFFFFF086  }
0x1c: {  	p1 =	slt.u32 s9, $0xF7A;
	s5 =	simm.s32 @!p2 $0x0  }
0x1d: {  	s5 =	simm.s32 @p1 $0x1;
	p0 =	seq.s32 s7, s2  }
0x1e: {  	s7 =	smul.u32 @!p0 $0xF7A, s2;
	p2 =	seq.s32 @!p0 s5, $0x0  }
0x1f: {  	s9 =	smul.u32 $0xF7A, s1;
	s8 =	simm.s32 @!p0 $0x1BF5;
	p2 =	por !p2, p0  }
0x20: {  	[sflag:s8] =	ssyncset.s32 @!p0 $0xFFFFF086;
	s6 =	sadd.s32 @!p0 s3, s7;
	s7 =	simm.s32 @!p0 $0x108  }
0x21: {  	s3 =	sadd.s32 s3, s9;
	s6 =	sadd.s32 @!p0 $0x88, s6;
	s7 =	simm.s32 @p2 $0x1082  }
0x22: {  	[simem:s7], [sflag:s8] =	dma.local @!p0 [hbm:s6], $0xF7A  }
0x23: {  	s9 =	sor.u32 $0xD0000000, s2;
	s6 =	simm.s32 $0x108;
	_ =	swait.ge @!p0 [sflag:s8], $0x0  }
0x24: {  	s3 =	sadd.s32 $0x88, s3;
	s6 =	simm.s32 @!p1 $0x1082;
	[sflag:s4] =	ssyncset.s32 $0xFFFFF086  }
0x25: {  	[simem:s6], [sflag:s4] =	dma.local [hbm:s3], $0xF7A  }
0x26: {  	[smem:$0x3F9E] =	sst s1;
	(tag) =	ssettag s2;
	_ =	strace s9  }
0x27: {  	s1 =	sld [smem:$0x3FAE]  }
0x28: {  	s2 =	sld [smem:$0x3FAF]  }
0x29: {  	s4 =	sld [smem:$0x3FB1]  }
0x2a: {  	p0 =	seq.s32 s5, $0x0;
	s5 =	sld [smem:$0x3FB2]  }
0x2b: {  	s6 =	sld [smem:$0x3FB3]  }
0x2c: {  	s7 =	sld [smem:$0x3FB4]  }
0x2d: {  	s3 =	simm.s32 $0x108;
	s8 =	sld [smem:$0x3FB5]  }
0x2e: {  	s3 =	simm.s32 @!p0 $0x1082;
	s9 =	sld [smem:$0x3FB6]  }
0x2f: {  	lr =	sadd.s32 s0, s3;
	s0 =	sld [smem:$0x3FAD]  }
0x30: {  	s3 =	sld [smem:$0x3FB0]  }
0x31: {  	[smem:$0x3FB9] =	sst s10  }
0x32: {  	s10 =	sld [smem:$0x3FB7];
	_ =	sdelay $0x3  }
0x33: {  	p0 =	seq.s32 s10, $0x1;
	s10 =	sld [smem:$0x3FB9];
	_ =	sdelay $0x3  }
0x34: {  	[smem:$0x3FB9] =	sst s10  }
0x35: {  	s10 =	sld [smem:$0x3FB8];
	_ =	sdelay $0x3  }
0x36: {  	p1 =	seq.s32 s10, $0x1;
	s10 =	sld [smem:$0x3FB9];
	_ =	sdelay $0x3  }
0x37: {  	[smem:$0x3FB9] =	sst s10  }
0x38: {  	s10 =	sld [smem:$0x3FBA]  }
0x39: {  	_ = 	snop;
	(pc) =	sbr.ind lr, $3  }
0x3a: {  	_ = 	snop  }
0x3b: {  	_ = 	snop  }
0x3c: {  	p2 =	seq.s32 s10, $0x1;
	s10 =	sld [smem:$0x3FB9]  }
0x3d: {  	_ =	shalt  }
0x3e: {  	_ =	shalt  }
0x3f: {  	_ =	shalt  }
0x40: {  	_ =	shalt  }
0x41: {  	_ =	shalt  }
0x42: {  	_ =	shalt  }
0x43: {  	_ =	shalt  }
0x44: {  	_ =	shalt  }
0x45: {  	_ =	shalt  }
0x46: {  	_ =	shalt  }
0x47: {  	_ =	shalt  }
0x48: {  	_ =	shalt  }
0x49: {  	_ =	shalt  }
0x4a: {  	_ =	shalt  }
0x4b: {  	_ =	shalt  }
0x4c: {  	_ =	shalt  }
0x4d: {  	_ =	shalt  }
0x4e: {  	_ =	shalt  }
0x4f: {  	_ =	shalt  }
0x50: {  	_ =	shalt  }
0x51: {  	_ =	shalt  }
0x52: {  	_ =	shalt  }
0x53: {  	_ =	shalt  }
0x54: {  	_ =	shalt  }
0x55: {  	_ =	shalt  }
0x56: {  	_ =	shalt  }
0x57: {  	_ =	shalt  }
0x58: {  	_ =	shalt  }
0x59: {  	_ =	shalt  }
0x5a: {  	_ =	shalt  }
0x5b: {  	_ =	shalt  }
0x5c: {  	_ =	shalt  }
0x5d: {  	_ =	shalt  }
0x5e: {  	_ =	shalt  }
0x5f: {  	_ =	shalt  }
0x60: {  	_ =	shalt  }
0x61: {  	_ =	shalt  }
0x62: {  	_ =	shalt  }
0x63: {  	_ =	shalt  }
0x64: {  	_ =	shalt  }
0x65: {  	_ =	shalt  }
0x66: {  	_ =	shalt  }
0x67: {  	_ =	shalt  }
0x68: {  	_ =	shalt  }
0x69: {  	_ =	shalt  }
0x6a: {  	_ =	shalt  }
0x6b: {  	_ =	shalt  }
0x6c: {  	_ =	shalt  }
0x6d: {  	_ =	shalt  }
0x6e: {  	_ =	shalt  }
0x6f: {  	_ =	shalt  }
0x70: {  	_ =	shalt  }
0x71: {  	_ =	shalt  }
0x72: {  	_ =	shalt  }
0x73: {  	_ =	shalt  }
0x74: {  	_ =	shalt  }
0x75: {  	_ =	shalt  }
0x76: {  	_ =	shalt  }
0x77: {  	_ =	shalt  }
0x78: {  	_ =	shalt  }
0x79: {  	_ =	shalt  }
0x7a: {  	_ =	shalt  }
0x7b: {  	_ =	shalt  }
0x7c: {  	_ =	shalt  }
0x7d: {  	_ =	shalt  }
0x7e: {  	_ =	shalt  }
0x7f: {  	_ =	shalt  }
0x80: {  	_ =	shalt  }
0x81: {  	_ =	shalt  }
0x82: {  	_ =	shalt  }
0x83: {  	_ =	shalt  }
0x84: {  	_ =	shalt  }
0x85: {  	_ =	shalt  }
0x86: {  	_ =	shalt  }
0x87: {  	_ =	shalt  }
.Lfunc_end0:
.L_simem_size_0:
called_computation_lowered:
.L_overlay_start_0:
0x88: {  	s2 =	sld [smem:$0x3FD9]  }
0x89: {  	s3 =	sld [smem:$0x3FFE];
	_ =	sdelay $0x1  }
0x8a: {  	s1 =	srdreg.scid  }
0x8b: {  	s0 =	sand.u32 $0x1, s1  }
0x8c: {  	s17 =	sshll.u32 s0, $0xA;
	s2 =	sadd.s32 s3, s2  }
0x8d: {  	s2 =	sadd.s32 s2, s17  }
0x8e: {  	[smem:$0x3FC5] =	sst s2  }
0x8f: {  	_ = 	snop  }
0x90: {  	s2 =	sld [smem:$0x3FC9]  }
0x91: {  	s18 =	sld [smem:$0x3FD0];
	(tm) =	ssettm $0x1  }
0x92: {  	s4 =	sld [smem:$0x3FFB];
	_ =	sdelay $0x3  }
0x93: {  	_ =	strace s4  }
0x94: {  	s4 =	sld [smem:$0x3FFC];
	_ =	sdelay $0x3  }
0x95: {  	_ =	strace s4  }
0x96: {  	s4 =	sld [smem:$0x3FFD];
	_ =	sdelay $0x3  }
0x97: {  	_ =	strace s4  }
0x98: {  	_ =	strace $0x8FFFFFFF  }
0x99: {  	s19 =	sld [smem:$0x3FDB];
	_ =	sdelay $0x1  }
0x9a: {  	s5 =	simm.s32 $_scs_section_size  }
0x9b: {  	s6 =	simm.s32 $_size__tile_overlayer_lowered;
	s7 =	simm.s32 $_tile_overlayer_lowered  }
0x9c: {  	s22 =	simm.s32 $0x1BFF;
	s21 =	sshll.u32 s7, $0x1;
	s4 =	sadd.s32 s5, s19  }
0x9d: {  	s8 =	simm.s32 $0x0;
	s20 =	sshll.u32 s6, $0x1;
	s6 =	sadd.s32 s21, s4  }
0x9e: {  	[timem:s8], [sflag:s22] =	dma.local [hbm:s6], s20  }
0x9f: {  	_ =	swait.ge [sflag:s22], s20  }
0xa0: {  	s5 =	ssub.s32 $0x0, s20;
	[sflag:s22] =	ssyncset.done $0x0  }
0xa1: {  	[sflag:s22] =	ssyncadd.s32 s5;
	_ =	sdelay $0x1  }
0xa2: {  	s23 =	simm.s32 $0x1B8B  }
0xa3: {  	_ =	swait.ge [sflag:s23], $0x1  }
0xa4: {  	[sflag:s23] =	ssyncset.done $0x0  }
0xa5: {  	s25 =	simm.s32 $0x1B8E;
	s24 =	sld [smem:$0x3FFE];
	[sflag:s23] =	ssyncadd.s32 $0xFFFFFFFF  }
0xa6: {  	s26 =	simm.s32 $execute0_lowered;
	[smem:$0x3FD2] =	sst s25  }
0xa7: {  	s6 =	sshll.u32 s26, $0x1;
	_ =	strace $0x80000046;
	[dreg:$0x1] =	wrdreg $0xFFFFFFFF  }
0xa8: {  	s28 =	simm.s32 $_size_execute0_lowered;
	s4 =	sadd.s32 s4, s6;
	[dreg:$0x0] =	wrdreg $0x0  }
0xa9: {  	s6 =	sshll.u32 s28, $0x1;
	[dreg:$0x2] =	wrdreg s4  }
0xaa: {  	[dreg:$0x3] =	wrdreg s6  }
0xab: {  	[dreg:$0x4] =	wrdreg $0xC0  }
0xac: {  	_ =	task [dreg:s8], $0x5FFFF  }
0xad: {  	[dreg:$0x1] =	wrdreg $0xFFFFFFFF  }
0xae: {  	[dreg:$0x0] =	wrdreg $0x60  }
0xaf: {  	[dreg:$0x2] =	wrdreg s2  }
0xb0: {  	[dreg:$0x3] =	wrdreg s24  }
0xb1: {  	[dreg:$0x4] =	wrdreg s18  }
0xb2: {  	[dreg:$0x5] =	wrdreg $0x108000  }
0xb3: {  	[dreg:$0x6] =	wrdreg $0x9  }
0xb4: {  	_ =	task.clear_ibuf [dreg:s8], $0x7FFFF;
	_ =	strace $0x90000046  }
0xb5: {  	s29 =	simm.s32 $0x9;
	_ =	strace $0x80000048  }
0xb6: {  	_ =	swait.ge [sflag:s29], $0x1  }
0xb7: {  	[sflag:s29] =	ssyncadd.s32 $0xFFFFFFFF  }
0xb8: {  	_ =	strace $0x90000048  }
0xb9: {  	_ =	sfence  }
0xba: {  	s30 =	sld [smem:$0x0];
	_ =	sdelay $0x2  }
0xbb: {  	s31 =	sshll.u32 s1, $0xD;
	s1 =	sshrl.u32 s1, $0x2  }
0xbc: {  	s3 =	sand.u32 $0x4000, s31;
	s1 =	sadd.s32 s1, s30  }
0xbd: {  	s0 =	sor.u32 s3, s0;
	s1 =	sshll.u32 s1, $0x11  }
0xbe: {  	s0 =	sor.u32 s1, s0  }
0xbf: {  	s0 =	sadd.s32 $0x8F2B, s0  }
0xc0: {  	[sflag:s0] =	ssyncadd.remote.s32 $0x1  }
0xc1: {  	_ =	sfence.sel $0xFFFF  }
0xc2: {  	[dreg:$0x0] =	wrdreg $0xFFFFFFFF;
	(pc) =	sbr.abs _section_cstart, $3  }
0xc3: {  	[dreg:$0x1] =	wrdreg $0xFFFFFFFF  }
0xc4: {  	_ =	task.clear_ibuf [dreg:s8], $0x2FFFF;
	_ =	strace $0x9FFFFFFF  }
0xc5: {  	(tm) =	ssettm $0x7FFFFFFF  }
tec
execute0_lowered:
.L_overlay_start_1:
0x0: {  	(tag) =	ssettag $0x1  }
0x1: {  	s0 =	rddreg [dreg:$0x0]  }
0x2: {  	s5 =	rddreg [dreg:$0x1]  }
0x3: {  	s1 =	rddreg [dreg:$0x2];
	s2 =	srdreg.scid  }
0x4: {  	s12 =	stileid.u32;
	s3 =	rddreg [dreg:$0x3]  }
0x5: {  	s4 =	simm.s32 $0x0;
	s17 =	simm.s32 $0x400;
	s18 =	simm.s32 $0x480  }
0x6: {  	s19 =	simm.s32 $0x600;
	s20 =	simm.s32 $0x680;
	s21 =	simm.s32 $0x500  }
0x7: {  	s22 =	simm.s32 $0x580;
	s23 =	simm.s32 $0x700;
	s25 =	simm.s32 $0x780  }
0x8: {  	s24 =	simm.s32 $0x4;
	[smem:$0x7FF] =	sst s4;
	s30 =	sadd.s32 $0xA00, s5  }
0x9: {  	s26 =	simm.s32 $0x6;
	_ =	strace $0x80000047;
	[dreg:$0x10] =	wrdreg s30  }
0xa: {  	s28 =	simm.s32 $0x0;
	s9 =	sand.u32 $0x1, s2;
	[dreg:$0x8] =	wrdreg s17  }
0xb: {  	s6 =	sshll.u32 s12, $0x1;
	s14 =	smul.u32 $0x320, s12;
	[dreg:$0x9] =	wrdreg s18  }
0xc: {  	p0 =	sne.s32 s12, $0x0;
	s12 =	simm.s32 $0x100;
	[dreg:$0xa] =	wrdreg s19  }
0xd: {  	s6 =	sor.u32 s9, s6;
	s10 =	ssub.s32 $0x2, s9;
	[dreg:$0xb] =	wrdreg s20  }
0xe: {  	s16 =	smul.u32 $0x190, s9;
	s17 =	simm.s32 $0x80;
	[dreg:$0xc] =	wrdreg s21  }
0xf: {  	s18 =	simm.s32 $0x800;
	s19 =	simm.s32 $0x4800;
	[dreg:$0xd] =	wrdreg s22  }
0x10: {  	s20 =	simm.s32 $0x3;
	s21 =	simm.s32 $0x2;
	[dreg:$0xe] =	wrdreg s23  }
0x11: {  	s22 =	simm.s32 $0x8800;
	s23 =	simm.s32 $0xC800;
	[dreg:$0xf] =	wrdreg s25  }
0x12: {  	s25 =	simm.s32 $0x5;
	s7 =	smul.u32 $0x32000, s6;
	s8 =	sshll.u32 s6, $0xC  }
0x13: {  	s11 =	sshrl.u32 s10, $0x1;
	s31 =	smul.u32 $0x190, s6;
	s8 =	sand.u32 $0x7000, s8  }
0x14: {  	s11 =	ssub.s32 s10, s11;
	s14 =	sadd.s32 s16, s14;
	s16 =	simm.s32 $0x1  }
0x15: {  	s7 =	sand.u32 $0x7F0000, s7;
	s15 =	sor.u32 $0x2, s31;
	[dreg:$0x7] =	wrdreg s14  }
0x16: {  	s10 =	sor.u32 $0x3, s31;
	s11 =	smax.u32 s11, $0x1;
	[dreg:$0x5] =	wrdreg s15  }
0x17: {  	s14 =	simm.s32 $0x300;
	s7 =	sor.u32 s7, s8;
	[dreg:$0x6] =	wrdreg s10  }
0x18: {  	s15 =	sshrl.u32 @!p0 s3, $0x3;
	s13 =	sshrl.u32 s7, $0x3;
	s7 =	sadd.s32 $0x1000, s0  }
0x19: {  	v0 =	vlaneseq.u32;
	s6 =	sadd.s32 s0, s13;
	s8 =	sadd.s32 s13, s7;
	s13 =	sor.u32 $0x20, s13  }
0x1a: {  	v0 =	vmul.u32 $0xC8, v0;
	s9 =	sadd.s32 s0, s13;
	s10 =	sadd.s32 s13, s7;
	s13 =	simm.s32 $0x200  }
.LBB2_1:
0x1b: {  	[tilespmem:s4], [sflag:$0x1] =	stream.linear.gather [hbm4b:s6+s4], $0x100, $0x38;
	[tilespmem:$0x18F00] =	vst v63  }
0x1c: {  	_ = 	snop  }
0x1d: {  	[tilespmem:s12], [sflag:$0x1] =	stream.linear.gather [hbm4b:s8+s4], $0x100, $0x38;
	[tilespmem:$0x18F00] =	vst v63  }
0x1e: {  	_ = 	snop  }
0x1f: {  	[tilespmem:s13], [sflag:$0x2] =	stream.linear.gather [hbm4b:s9+s4], $0x100, $0x38;
	[tilespmem:$0x18F00] =	vst v63  }
0x20: {  	s29 =	simm.s32 @!p0 $0x1C07;
	s2 =	rddreg [dreg:$0x10]  }
0x21: {  	[tilespmem:s14], [sflag:$0x2] =	stream.linear.gather [hbm4b:s10+s4], $0x100, $0x38;
	[tilespmem:$0x18F00] =	vst v63  }
0x22: {  	[spmem:s15], [sflag:s29] =	dma.local @!p0 [hbm:s2], $0x10E00  }
0x23: {  	s29 =	simm.s32 @!p0 $0x7  }
0x24: {  	_ =	swait.ge @!p0 [sflag:s29], $0x10E00  }
0x25: {  	[sflag:s29] =	ssyncset.done @!p0 $0x0  }
0x26: {  	[sflag:s29] =	ssyncadd.s32 @!p0 $0xFFFEF200  }
0x27: {  	s29 =	simm.s32 $0x0;
	[bflag:$0x0] =	sbarrier.arrive $0xFFFF  }
.LBB2_2:
0x28: {  	s30 =	rddreg [dreg:$0x7];
	_ =	swait.ge [sflag:s16], $0x100  }
0x29: {  	[sflag:s16] =	ssyncset.done $0x0  }
0x2a: {  	[sflag:s16] =	ssyncadd.s32 $0xFFFFFF00  }
0x2b: {  	_ =	swait.ge [sflag:s16], $0x100  }
0x2c: {  	[sflag:s16] =	ssyncset.done $0x0  }
0x2d: {  	[sflag:s16] =	ssyncadd.s32 $0xFFFFFF00  }
0x2e: {  	v1 =	vld [tilespmem:$0x0]  }
0x2f: {  	v2 =	vld [tilespmem:$0x80]  }
0x30: {  	v3 =	vld [tilespmem:$0x10]  }
0x31: {  	s30 =	sadd.s32 s29, s30;
	v4 =	vld [tilespmem:$0x90]  }
0x32: {  	s31 =	sand.u32 $0x7E, s30;
	v5 =	vld [tilespmem:$0x20]  }
0x33: {  	s2 =	sshrl.u32 s30, $0x6;
	s31 =	smul.u32 $0x6400, s31;
	v6 =	vld [tilespmem:$0xA0];
	v1 =	vmul.u32 $0x3C, v1  }
0x34: {  	s2 =	sand.u32 $0x1FFFFFE, s2;
	v7 =	vld [tilespmem:$0x30]  }
0x35: {  	s31 =	sadd.s32 s2, s31;
	v8 =	vld [tilespmem:$0x40];
	v1 =	vadd.s32 v2, v1;
	v2 =	vmul.u32 $0x3C, v3  }
0x36: {  	v3 =	vld [tilespmem:$0xB0];
	[tilespmem:$0x400] =	vst v1;
	v1 =	vadd.s32 s31, v0  }
0x37: {  	s2 =	sadd.s32 $0xC80, s31;
	v21 =	vld [tilespmem:$0xC0];
	[tilespmem:$0x600] =	vst v1;
	v1 =	vadd.s32 v4, v2;
	v2 =	vmul.u32 $0x3C, v5  }
0x38: {  	v22 =	vld [tilespmem:$0x50];
	[tilespmem:$0x410] =	vst v1;
	v1 =	vadd.s32 s2, v0  }
0x39: {  	s5 =	sadd.s32 $0x1900, s31;
	v23 =	vld [tilespmem:$0xD0];
	[tilespmem:$0x610] =	vst v1;
	v1 =	vadd.s32 v6, v2;
	v2 =	vmul.u32 $0x3C, v7  }
0x3a: {  	v24 =	vld [tilespmem:$0x60];
	[tilespmem:$0x420] =	vst v1;
	v1 =	vadd.s32 s5, v0  }
0x3b: {  	v25 =	vld [tilespmem:$0x70];
	s5 =	sadd.s32 $0x2580, s31;
	[tilespmem:$0x620] =	vst v1;
	v1 =	vadd.s32 v3, v2;
	v2 =	vmul.u32 $0x3C, v8  }
0x3c: {  	v3 =	vld [tilespmem:$0xE0];
	[tilespmem:$0x430] =	vst v1;
	v1 =	vadd.s32 s5, v0  }
0x3d: {  	v26 =	vld [tilespmem:$0xF0];
	s5 =	sadd.s32 $0x3200, s31;
	[tilespmem:$0x630] =	vst v1;
	v1 =	vadd.s32 v21, v2;
	v2 =	vmul.u32 $0x3C, v22  }
0x3e: {  	v27 =	vld [tilespmem:$0x100];
	[tilespmem:$0x440] =	vst v1;
	v1 =	vadd.s32 s5, v0  }
0x3f: {  	v28 =	vld [tilespmem:$0x180];
	s5 =	sadd.s32 $0x3E80, s31;
	[tilespmem:$0x640] =	vst v1;
	v1 =	vadd.s32 v23, v2;
	v2 =	vmul.u32 $0x3C, v24  }
0x40: {  	v29 =	vld [tilespmem:$0x110];
	[tilespmem:$0x450] =	vst v1;
	v1 =	vadd.s32 s5, v0  }
0x41: {  	v30 =	vld [tilespmem:$0x120];
	s5 =	sadd.s32 $0x4B00, s31;
	[tilespmem:$0x650] =	vst v1;
	v1 =	vadd.s32 v3, v2;
	v2 =	vmul.u32 $0x3C, v25  }
0x42: {  	v3 =	vld [tilespmem:$0x190];
	[tilespmem:$0x460] =	vst v1;
	v1 =	vadd.s32 s5, v0  }
0x43: {  	v31 =	vld [tilespmem:$0x1A0];
	s5 =	sadd.s32 $0x5780, s31;
	[tilespmem:$0x660] =	vst v1;
	v1 =	vadd.s32 v26, v2;
	v2 =	vmul.u32 $0x3C, v27  }
0x44: {  	v32 =	vld [tilespmem:$0x130];
	[tilespmem:$0x470] =	vst v1;
	v1 =	vadd.s32 s5, v0  }
0x45: {  	v33 =	vld [tilespmem:$0x1B0];
	s5 =	sor.u32 $0x1, s31;
	[tilespmem:$0x670] =	vst v1;
	v1 =	vadd.s32 v28, v2;
	v2 =	vmul.u32 $0x3C, v29  }
0x46: {  	v34 =	vld [tilespmem:$0x140];
	[tilespmem:$0x480] =	vst v1;
	v1 =	vadd.s32 s5, v0  }
0x47: {  	v35 =	vld [tilespmem:$0x150];
	s5 =	sadd.s32 $0xC81, s31;
	[tilespmem:$0x680] =	vst v1;
	v1 =	vadd.s32 v3, v2;
	v2 =	vmul.u32 $0x3C, v30  }
0x48: {  	v3 =	vld [tilespmem:$0x1C0];
	[tilespmem:$0x490] =	vst v1;
	v1 =	vadd.s32 s5, v0  }
0x49: {  	v36 =	vld [tilespmem:$0x1D0];
	s5 =	sadd.s32 $0x1901, s31;
	[tilespmem:$0x690] =	vst v1;
	v1 =	vadd.s32 v31, v2;
	v2 =	vmul.u32 $0x3C, v32  }
0x4a: {  	v37 =	vld [tilespmem:$0x160];
	[tilespmem:$0x4A0] =	vst v1;
	v1 =	vadd.s32 s5, v0  }
0x4b: {  	v38 =	vld [tilespmem:$0x1E0];
	s5 =	sadd.s32 $0x2581, s31;
	[tilespmem:$0x6A0] =	vst v1;
	v1 =	vadd.s32 v33, v2;
	v2 =	vmul.u32 $0x3C, v34  }
0x4c: {  	v39 =	vld [tilespmem:$0x170];
	[tilespmem:$0x4B0] =	vst v1;
	v1 =	vadd.s32 s5, v0  }
0x4d: {  	s5 =	sadd.s32 $0x3201, s31;
	[tilespmem:$0x6B0] =	vst v1;
	v1 =	vadd.s32 v3, v2;
	v2 =	vmul.u32 $0x3C, v35  }
0x4e: {  	v3 =	vld [tilespmem:$0x1F0];
	[tilespmem:$0x4C0] =	vst v1;
	v1 =	vadd.s32 s5, v0  }
0x4f: {  	s5 =	sadd.s32 $0x3E81, s31;
	[tilespmem:$0x6C0] =	vst v1;
	v1 =	vadd.s32 v36, v2;
	v2 =	vmul.u32 $0x3C, v37  }
0x50: {  	s2 =	rddreg [dreg:$0x5];
	[tilespmem:$0x4D0] =	vst v1;
	v1 =	vadd.s32 s5, v0;
	s5 =	smin.u32 s29, $0x18D  }
0x51: {  	[tilespmem:$0x6D0] =	vst v1;
	v1 =	vadd.s32 v38, v2;
	s2 =	sadd.s32 s5, s2;
	s5 =	sadd.s32 $0x4B01, s31;
	v2 =	vmul.u32 $0x3C, v39  }
0x52: {  	[tilespmem:$0x4E0] =	vst v1;
	v1 =	vadd.s32 s5, v0;
	s5 =	sshll.u32 s2, $0x6;
	s2 =	sshll.u32 s2, $0x5  }
0x53: {  	s31 =	sadd.s32 $0x5781, s31;
	[tilespmem:$0x6E0] =	vst v1;
	v1 =	vadd.s32 v3, v2;
	s5 =	sand.u32 $0x1FE000, s5;
	s2 =	sand.u32 $0xFE0, s2  }
0x54: {  	v2 =	vadd.s32 s31, v0;
	[tilespmem:$0x4F0] =	vst v1;
	s2 =	sor.u32 s2, s5  }
0x55: {  	[tilespmem:$0x6F0] =	vst v2;
	s5 =	sadd.s32 s0, s2  }
0x56: {  	[tilespmem:s4], [sflag:$0x1] =	stream.linear.gather [hbm4b:s5+s4], $0x100, $0x38;
	[tilespmem:$0x18F00] =	vst v63  }
0x57: {  	p1 =	seq.s32 s29, $0x0;
	s2 =	sadd.s32 s2, s7  }
0x58: {  	[tilespmem:s12], [sflag:$0x1] =	stream.linear.gather [hbm4b:s2+s4], $0x100, $0x38;
	[tilespmem:$0x18F00] =	vst v63  }
0x59: {  	s2 =	simm.s32 @!p1 $0x5  }
0x5a: {  	_ =	swait.ge @!p1 [sflag:s2], $0x4000  }
0x5b: {  	[sflag:s2] =	ssyncset.done @!p1 $0x0  }
0x5c: {  	[sflag:s2] =	ssyncadd.s32 @!p1 $0xFFFFC000  }
0x5d: {  	_ =	swait.ge @!p1 [sflag:s2], $0x4000  }
0x5e: {  	[sflag:s2] =	ssyncset.done @!p1 $0x0  }
0x5f: {  	s5 =	rddreg [dreg:$0x8];
	[sflag:s2] =	ssyncadd.s32 @!p1 $0xFFFFC000  }
0x60: {  	[tilespmem:s18], [sflag:$0x3] =	stream.indirect.gather [spmem:s3], $0x80, s5, s17, $0xb8;
	[tilespmem:$0x18F00] =	vst v63  }
0x61: {  	s31 =	rddreg [dreg:$0x9]  }
0x62: {  	[tilespmem:s19], [sflag:$0x3] =	stream.indirect.gather [spmem:s3], $0x80, s31, s17, $0xb8;
	[tilespmem:$0x18F00] =	vst v63  }
0x63: {  	_ =	swait.ge [sflag:s20], $0x4000  }
0x64: {  	[sflag:s20] =	ssyncset.done $0x0  }
0x65: {  	[sflag:s20] =	ssyncadd.s32 $0xFFFFC000  }
0x66: {  	_ =	swait.ge [sflag:s20], $0x4000  }
0x67: {  	[sflag:s20] =	ssyncset.done $0x0  }
0x68: {  	s5 =	rddreg [dreg:$0xa];
	[sflag:s20] =	ssyncadd.s32 $0xFFFFC000  }
0x69: {  	[hbm4b:s1+s17] =	stream.indirect.scatter [tilespmem:s18], [sflag:$0x5], $0x80, s5, s17, $0xb8;
	[tilespmem:$0x18F00] =	vst v63  }
0x6a: {  	s31 =	rddreg [dreg:$0xb]  }
0x6b: {  	[hbm4b:s1+s17] =	stream.indirect.scatter [tilespmem:s19], [sflag:$0x5], $0x80, s31, s17, $0xb8;
	[tilespmem:$0x18F00] =	vst v63  }
0x6c: {  	_ =	swait.ge [sflag:s21], $0x100  }
0x6d: {  	[sflag:s21] =	ssyncset.done $0x0  }
0x6e: {  	[sflag:s21] =	ssyncadd.s32 $0xFFFFFF00  }
0x6f: {  	_ =	swait.ge [sflag:s21], $0x100  }
0x70: {  	[sflag:s21] =	ssyncset.done $0x0  }
0x71: {  	[sflag:s21] =	ssyncadd.s32 $0xFFFFFF00  }
0x72: {  	v1 =	vld [tilespmem:$0x200]  }
0x73: {  	v2 =	vld [tilespmem:$0x280]  }
0x74: {  	v3 =	vld [tilespmem:$0x210]  }
0x75: {  	s30 =	sadd.s32 $0x1, s30;
	v40 =	vld [tilespmem:$0x290]  }
0x76: {  	s31 =	sand.u32 $0x7F, s30;
	v41 =	vld [tilespmem:$0x220]  }
0x77: {  	s2 =	sshrl.u32 s30, $0x6;
	s5 =	smul.u32 $0x6400, s31;
	v42 =	vld [tilespmem:$0x2A0];
	v1 =	vmul.u32 $0x3C, v1  }
0x78: {  	s2 =	sand.u32 $0x1FFFFFE, s2;
	v43 =	vld [tilespmem:$0x230]  }
0x79: {  	s30 =	sadd.s32 s2, s5;
	v44 =	vld [tilespmem:$0x240];
	v1 =	vadd.s32 v2, v1;
	v2 =	vmul.u32 $0x3C, v3  }
0x7a: {  	v3 =	vld [tilespmem:$0x2B0];
	[tilespmem:$0x500] =	vst v1;
	v1 =	vadd.s32 s30, v0  }
0x7b: {  	s2 =	sadd.s32 $0xC80, s30;
	v45 =	vld [tilespmem:$0x2C0];
	[tilespmem:$0x700] =	vst v1;
	v1 =	vadd.s32 v40, v2;
	v2 =	vmul.u32 $0x3C, v41  }
0x7c: {  	v46 =	vld [tilespmem:$0x250];
	[tilespmem:$0x510] =	vst v1;
	v1 =	vadd.s32 s2, v0  }
0x7d: {  	s5 =	sadd.s32 $0x1900, s30;
	v47 =	vld [tilespmem:$0x2D0];
	[tilespmem:$0x710] =	vst v1;
	v1 =	vadd.s32 v42, v2;
	v2 =	vmul.u32 $0x3C, v43  }
0x7e: {  	v48 =	vld [tilespmem:$0x260];
	[tilespmem:$0x520] =	vst v1;
	v1 =	vadd.s32 s5, v0  }
0x7f: {  	s31 =	sadd.s32 $0x2580, s30;
	v49 =	vld [tilespmem:$0x270];
	[tilespmem:$0x720] =	vst v1;
	v1 =	vadd.s32 v3, v2;
	v2 =	vmul.u32 $0x3C, v44  }
0x80: {  	v3 =	vld [tilespmem:$0x2E0];
	[tilespmem:$0x530] =	vst v1;
	v1 =	vadd.s32 s31, v0  }
0x81: {  	v50 =	vld [tilespmem:$0x2F0];
	s5 =	sadd.s32 $0x3200, s30;
	[tilespmem:$0x730] =	vst v1;
	v1 =	vadd.s32 v45, v2;
	v2 =	vmul.u32 $0x3C, v46  }
0x82: {  	v51 =	vld [tilespmem:$0x300];
	[tilespmem:$0x540] =	vst v1;
	v1 =	vadd.s32 s5, v0  }
0x83: {  	v52 =	vld [tilespmem:$0x380];
	s31 =	sadd.s32 $0x3E80, s30;
	[tilespmem:$0x740] =	vst v1;
	v1 =	vadd.s32 v47, v2;
	v2 =	vmul.u32 $0x3C, v48  }
0x84: {  	v53 =	vld [tilespmem:$0x310];
	[tilespmem:$0x550] =	vst v1;
	v1 =	vadd.s32 s31, v0  }
0x85: {  	v54 =	vld [tilespmem:$0x320];
	s5 =	sadd.s32 $0x4B00, s30;
	[tilespmem:$0x750] =	vst v1;
	v1 =	vadd.s32 v3, v2;
	v2 =	vmul.u32 $0x3C, v49  }
0x86: {  	v3 =	vld [tilespmem:$0x390];
	[tilespmem:$0x560] =	vst v1;
	v1 =	vadd.s32 s5, v0  }
0x87: {  	v55 =	vld [tilespmem:$0x3A0];
	s31 =	sadd.s32 $0x5780, s30;
	[tilespmem:$0x760] =	vst v1;
	v1 =	vadd.s32 v50, v2;
	v2 =	vmul.u32 $0x3C, v51  }
0x88: {  	v56 =	vld [tilespmem:$0x330];
	[tilespmem:$0x570] =	vst v1;
	v1 =	vadd.s32 s31, v0  }
0x89: {  	v57 =	vld [tilespmem:$0x3B0];
	s5 =	sor.u32 $0x1, s30;
	[tilespmem:$0x770] =	vst v1;
	v1 =	vadd.s32 v52, v2;
	v2 =	vmul.u32 $0x3C, v53  }
0x8a: {  	v58 =	vld [tilespmem:$0x340];
	[tilespmem:$0x580] =	vst v1;
	v1 =	vadd.s32 s5, v0  }
0x8b: {  	v59 =	vld [tilespmem:$0x350];
	s31 =	sadd.s32 $0xC81, s30;
	[tilespmem:$0x780] =	vst v1;
	v1 =	vadd.s32 v3, v2;
	v2 =	vmul.u32 $0x3C, v54  }
0x8c: {  	v3 =	vld [tilespmem:$0x3C0];
	[tilespmem:$0x590] =	vst v1;
	v1 =	vadd.s32 s31, v0  }
0x8d: {  	v60 =	vld [tilespmem:$0x3D0];
	s5 =	sadd.s32 $0x1901, s30;
	[tilespmem:$0x790] =	vst v1;
	v1 =	vadd.s32 v55, v2;
	v2 =	vmul.u32 $0x3C, v56  }
0x8e: {  	v61 =	vld [tilespmem:$0x360];
	[tilespmem:$0x5A0] =	vst v1;
	v1 =	vadd.s32 s5, v0  }
0x8f: {  	v62 =	vld [tilespmem:$0x3E0];
	s31 =	sadd.s32 $0x2581, s30;
	[tilespmem:$0x7A0] =	vst v1;
	v1 =	vadd.s32 v57, v2;
	v2 =	vmul.u32 $0x3C, v58  }
0x90: {  	v63 =	vld [tilespmem:$0x370];
	[tilespmem:$0x5B0] =	vst v1;
	v1 =	vadd.s32 s31, v0  }
0x91: {  	s5 =	sadd.s32 $0x3201, s30;
	[tilespmem:$0x7B0] =	vst v1;
	v1 =	vadd.s32 v3, v2;
	v2 =	vmul.u32 $0x3C, v59  }
0x92: {  	v3 =	vld [tilespmem:$0x3F0];
	[tilespmem:$0x5C0] =	vst v1;
	v1 =	vadd.s32 s5, v0  }
0x93: {  	s5 =	sadd.s32 $0x3E81, s30;
	[tilespmem:$0x7C0] =	vst v1;
	v1 =	vadd.s32 v60, v2;
	v2 =	vmul.u32 $0x3C, v61  }
0x94: {  	s2 =	rddreg [dreg:$0x6];
	s31 =	smin.u32 s29, $0x18C;
	[tilespmem:$0x5D0] =	vst v1;
	v1 =	vadd.s32 s5, v0  }
0x95: {  	s2 =	sadd.s32 s31, s2;
	s31 =	sadd.s32 $0x4B01, s30;
	[tilespmem:$0x7D0] =	vst v1;
	v1 =	vadd.s32 v62, v2;
	v2 =	vmul.u32 $0x3C, v63  }
0x96: {  	[tilespmem:$0x5E0] =	vst v1;
	v1 =	vadd.s32 s31, v0;
	s31 =	sshll.u32 s2, $0x6;
	s2 =	sshll.u32 s2, $0x5  }
0x97: {  	s30 =	sadd.s32 $0x5781, s30;
	[tilespmem:$0x7E0] =	vst v1;
	v1 =	vadd.s32 v3, v2;
	s5 =	sand.u32 $0x1FE000, s31;
	s2 =	sand.u32 $0xFE0, s2  }
0x98: {  	[tilespmem:$0x5F0] =	vst v1;
	v1 =	vadd.s32 s30, v0;
	s2 =	sor.u32 s2, s5  }
0x99: {  	[tilespmem:$0x7F0] =	vst v1;
	s5 =	sadd.s32 s0, s2  }
0x9a: {  	[tilespmem:s13], [sflag:$0x2] =	stream.linear.gather [hbm4b:s5+s4], $0x100, $0x38;
	[tilespmem:$0x18F00] =	vst v63  }
0x9b: {  	s2 =	sadd.s32 s2, s7  }
0x9c: {  	[tilespmem:s14], [sflag:$0x2] =	stream.linear.gather [hbm4b:s2+s4], $0x100, $0x38;
	[tilespmem:$0x18F00] =	vst v63  }
0x9d: {  	s2 =	simm.s32 @!p1 $0x6  }
0x9e: {  	_ =	swait.ge @!p1 [sflag:s2], $0x4000  }
0x9f: {  	[sflag:s2] =	ssyncset.done @!p1 $0x0  }
0xa0: {  	[sflag:s2] =	ssyncadd.s32 @!p1 $0xFFFFC000  }
0xa1: {  	_ =	swait.ge @!p1 [sflag:s2], $0x4000  }
0xa2: {  	[sflag:s2] =	ssyncset.done @!p1 $0x0  }
0xa3: {  	s30 =	rddreg [dreg:$0xc];
	[sflag:s2] =	ssyncadd.s32 @!p1 $0xFFFFC000  }
0xa4: {  	[tilespmem:s22], [sflag:$0x4] =	stream.indirect.gather [spmem:s3], $0x80, s30, s17, $0xb8;
	[tilespmem:$0x18F00] =	vst v63  }
0xa5: {  	s31 =	rddreg [dreg:$0xd]  }
0xa6: {  	[tilespmem:s23], [sflag:$0x4] =	stream.indirect.gather [spmem:s3], $0x80, s31, s17, $0xb8;
	[tilespmem:$0x18F00] =	vst v63  }
0xa7: {  	_ =	swait.ge [sflag:s24], $0x4000  }
0xa8: {  	[sflag:s24] =	ssyncset.done $0x0  }
0xa9: {  	s29 =	sadd.s32 $0x2, s29;
	[sflag:s24] =	ssyncadd.s32 $0xFFFFC000  }
0xaa: {  	p1 =	sne.s32 s29, $0x190;
	_ =	swait.ge [sflag:s24], $0x4000  }
.Ltmp0:
0xab: {  	[sflag:s24] =	ssyncset.done $0x0;
	(pc) =	sbr.rel @p1 .LBB2_2-.Ltmp0, $4  }
0xac: {  	s30 =	rddreg [dreg:$0xe];
	[sflag:s24] =	ssyncadd.s32 $0xFFFFC000  }
0xad: {  	[hbm4b:s1+s17] =	stream.indirect.scatter [tilespmem:s22], [sflag:$0x6], $0x80, s30, s17, $0xb8;
	[tilespmem:$0x18F00] =	vst v63  }
0xae: {  	s31 =	rddreg [dreg:$0xf]  }
0xaf: {  	[hbm4b:s1+s17] =	stream.indirect.scatter [tilespmem:s23], [sflag:$0x6], $0x80, s31, s17, $0xb8;
	[tilespmem:$0x18F00] =	vst v63  }
0xb0: {  	_ =	swait.ge [sflag:s25], $0x4000  }
0xb1: {  	[sflag:s25] =	ssyncset.done $0x0  }
0xb2: {  	[sflag:s25] =	ssyncadd.s32 $0xFFFFC000  }
0xb3: {  	_ =	swait.ge [sflag:s25], $0x4000  }
0xb4: {  	[sflag:s25] =	ssyncset.done $0x0  }
0xb5: {  	[sflag:s25] =	ssyncadd.s32 $0xFFFFC000  }
0xb6: {  	_ =	swait.ge [sflag:s16], $0x100  }
0xb7: {  	[sflag:s16] =	ssyncset.done $0x0  }
0xb8: {  	[sflag:s16] =	ssyncadd.s32 $0xFFFFFF00  }
0xb9: {  	_ =	swait.ge [sflag:s16], $0x100  }
0xba: {  	[sflag:s16] =	ssyncset.done $0x0  }
0xbb: {  	[sflag:s16] =	ssyncadd.s32 $0xFFFFFF00  }
0xbc: {  	_ =	swait.ge [sflag:s26], $0x4000  }
0xbd: {  	[sflag:s26] =	ssyncset.done $0x0  }
0xbe: {  	[sflag:s26] =	ssyncadd.s32 $0xFFFFC000  }
0xbf: {  	_ =	swait.ge [sflag:s26], $0x4000  }
0xc0: {  	[sflag:s26] =	ssyncset.done $0x0  }
0xc1: {  	s28 =	sadd.s32 $0x1, s28;
	[sflag:s26] =	ssyncadd.s32 $0xFFFFC000  }
0xc2: {  	p1 =	sne.s32 s28, s11;
	_ =	swait.ge [sflag:s21], $0x100  }
.Ltmp1:
0xc3: {  	[sflag:s21] =	ssyncset.done $0x0;
	(pc) =	sbr.rel @p1 .LBB2_1-.Ltmp1, $4  }
0xc4: {  	[sflag:s21] =	ssyncadd.s32 $0xFFFFFF00  }
0xc5: {  	_ =	swait.ge [sflag:s21], $0x100  }
0xc6: {  	[sflag:s21] =	ssyncset.done $0x0  }
0xc7: {  	[sflag:s21] =	ssyncadd.s32 $0xFFFFFF00  }
0xc8: {  	_ =	sfence.sel $0x180000  }
0xc9: {  	[bflag:$0x0] =	sbarrier.arrive $0xFFFF  }
0xca: {  	_ =	strace $0x90000047  }
0xcb: {  	[bflag:$0x2] =	sbarrier.arrive $0xFFFF  }
0xcc: {  	s0 =	rddreg [dreg:$0x4]  }
0xcd: {  	s0 =	sadd.s32 @!p0 $0x100000, s0  }
0xce: {  	[sflag:s0] =	ssyncadd.tile.s32 @!p0 $0x1;
	_ =	shalt  }
.Lfunc_end2:
_tile_overlayer_lowered:
.L_overlay_start_2:
0xcf: {  	(tag) =	ssettag $0x2  }
0xd0: {  	s0 =	rddreg [dreg:$0x0];
	s2 =	stileid.u32  }
0xd1: {  	s1 =	rddreg [dreg:$0x1];
	p0 =	sne.s32 s2, $0x0  }
0xd2: {  	s3 =	rddreg [dreg:$0x2];
	[bflag:$0x3] =	sbarrier.arrive $0xFFFF;
	s2 =	simm.s32 @!p0 $0x1C07  }
0xd3: {  	[timem:s3], [sflag:s2] =	dma.local @!p0 [hbm:s0], s1  }
0xd4: {  	s0 =	simm.s32 @!p0 $0x7  }
0xd5: {  	_ =	swait.ge @!p0 [sflag:s0], s1  }
0xd6: {  	s1 =	ssub.s32 @!p0 $0x0, s1;
	[sflag:s0] =	ssyncset.done @!p0 $0x0  }
0xd7: {  	[sflag:s0] =	ssyncadd.s32 @!p0 s1  }
0xd8: {  	[bflag:$0x3] =	sbarrier.arrive $0xFFFF  }
0xd9: {  	_ =	shalt  }

</sc_bundles>
